<compile_context>
chip_gen: v7x
topology: tpu7x:2x2x1
jax: 0.10.2.dev20260603
libtpu: 0.0.44.dev20260713+nightly
codegen_flags: <defaults>
</compile_context>

<pallas_src>
import jax
import jax.numpy as jnp
from jax import lax
from jax.experimental import pallas as pl
from jax.experimental.pallas import tpu as pltpu
from jax.experimental.pallas import tpu_sc as plsc

AUTHOR_VOCAB = 1000000
SUBREDDIT_VOCAB = 100000
EMBED_DIM = 20
EMBED_PAD = 24
BATCH = 16384
NROWS = 2 * BATCH

NC = 2
NS = 16
NW = NC * NS
R_PER_W = NROWS // NW
CHUNK = 128
NCHUNK = R_PER_W // CHUNK

_mesh = plsc.VectorSubcoreMesh(core_axis_name="c", subcore_axis_name="s",
                               num_cores=NC)


def _body(ids_hbm, tab_hbm, out_hbm, idx_v, rows_v, sem):
    wid = lax.axis_index("s") * NC + lax.axis_index("c")

    pltpu.sync_copy(ids_hbm.at[pl.ds(wid * NCHUNK, NCHUNK)], idx_v)

    copies = []
    for j in range(NCHUNK):
        copies.append(pltpu.async_copy(
            tab_hbm.at[idx_v.at[j]],
            rows_v.at[pl.ds(j * CHUNK, CHUNK)], sem))
    for c in copies:
        c.wait()

    pltpu.sync_copy(rows_v, out_hbm.at[pl.ds(wid * R_PER_W, R_PER_W)])


_gather_concat = pl.kernel(
    _body,
    mesh=_mesh,
    out_type=jax.ShapeDtypeStruct((NROWS, EMBED_PAD), jnp.float32),
    scratch_types=[
        pltpu.VMEM((NCHUNK, CHUNK), jnp.int32),
        pltpu.VMEM((R_PER_W, EMBED_PAD), jnp.float32),
        pltpu.SemaphoreType.DMA,
    ],
    compiler_params=pltpu.CompilerParams(use_tc_tiling_on_sc=False),
)


def kernel(author_ids, subreddit_ids, author_table, subreddit_table):
    pad = ((0, 0), (0, EMBED_PAD - EMBED_DIM))
    tab = jnp.concatenate(
        [jnp.pad(author_table, pad), jnp.pad(subreddit_table, pad)], axis=0)
    ids = jnp.stack(
        [author_ids.astype(jnp.int32),
         subreddit_ids.astype(jnp.int32) + AUTHOR_VOCAB],
        axis=1).reshape(NROWS // CHUNK, CHUNK)
    out2 = _gather_concat(ids, tab)
    return out2[:, :EMBED_DIM].reshape(BATCH, 2 * EMBED_DIM)

# --- scband reference (transcript-rebuilt; emitter-appended) ---
"""Pipeline reference for scband-query-model-51668456571066 (READ-ONLY COPY).

The authoritative reference and input builder live on the scoring server;
editing this copy changes nothing except your own understanding.
"""

import jax, jax.numpy as jnp
import numpy as np

AUTHOR_VOCAB = 1000000
SUBREDDIT_VOCAB = 100000
EMBED_DIM = 20
BATCH = 16384

def setup_inputs(seed: int = 0) -> dict:
    key = jax.random.key(seed)
    k1, k2, k3, k4 = jax.random.split(key, 4)
    author_ids = jax.random.randint(k1, (BATCH,), 0, AUTHOR_VOCAB, dtype=jnp.int32).astype(jnp.int64)
    subreddit_ids = jax.random.randint(k2, (BATCH,), 0, SUBREDDIT_VOCAB, dtype=jnp.int32).astype(jnp.int64)
    author_table = jax.random.normal(k3, (AUTHOR_VOCAB, EMBED_DIM), dtype=jnp.float32) * 0.05
    subreddit_table = jax.random.normal(k4, (SUBREDDIT_VOCAB, EMBED_DIM), dtype=jnp.float32) * 0.05
    return {
        'author_ids': author_ids,
        'subreddit_ids': subreddit_ids,
        'author_table': author_table,
        'subreddit_table': subreddit_table,
    }

def reference(author_ids, subreddit_ids, author_table, subreddit_table):
    # StringLookup replaced by precomputed integer ids (same math after tokenization).
    author_emb = jnp.take(author_table, author_ids, axis=0)        # [B, 20]
    subreddit_emb = jnp.take(subreddit_table, subreddit_ids, axis=0)  # [B, 20]
    embeddings = jnp.concatenate([author_emb, subreddit_emb], axis=1)  # [B, 40]
    return embeddings

if __name__ == "__main__":
    import jax
    _d = setup_inputs()
    print(jax.jit(kernel)(*tuple(_d.values())))

</pallas_src>

<mosaic_0001>
#map = affine_map<(d0, d1) -> (0, 0)>
module attributes {stable_mosaic.version = 14 : i64} {
  func.func @_body(%arg0: i32, %arg1: i32, %arg2: memref<256x128xi32, #tpu.memory_space<hbm>>, %arg3: memref<1100000x24xf32, #tpu.memory_space<hbm>>, %arg4: memref<32768x24xf32, #tpu.memory_space<hbm>>, %arg5: memref<8x128xi32, #tpu.memory_space<vmem>>, %arg6: memref<1024x24xf32, #tpu.memory_space<vmem>>, %arg7: memref<!tpu.dma_semaphore, #tpu.memory_space<semaphore_mem>>) attributes {dimension_semantics = [#tpu.dimension_semantics<core_parallel>, #tpu.dimension_semantics<subcore_parallel>], iteration_bounds = array<i64: 2, 16>, scalar_prefetch = 0 : i64, scratch_operands = 3 : i64, tpu.core_type = #tpu.core_type<sc_vector_subcore>, window_params = [{transform_indices = #map}, {transform_indices = #map}, {transform_indices = #map}]} {
    %mul3A = arith.constant 2 : i32
    %mul3A_0 = arith.muli %arg1, %mul3A : i32
    %add3A = arith.addi %mul3A_0, %arg0 : i32
    %mul3A_1 = arith.constant 8 : i32
    %mul3A_2 = arith.muli %add3A, %mul3A_1 : i32
    "tpu.region"() ({
      %run_scoped3A = tpu.sem_alloc : memref<!tpu.dma_semaphore, #tpu.memory_space<semaphore_mem>>
      %dma_start3A_163 = arith.constant 0 : i32
      %dma_start3A_164 = tpu.memref_slice %arg2[%mul3A_2, %dma_start3A_163] : memref<256x128xi32, #tpu.memory_space<hbm>> -> memref<8x128xi32, #tpu.memory_space<hbm>>
      %dma_start3A_165 = arith.constant 0 : i32
      %dma_start3A_166 = tpu.memref_slice %arg2[%mul3A_2, %dma_start3A_165] : memref<256x128xi32, #tpu.memory_space<hbm>> -> memref<8x128xi32, #tpu.memory_space<hbm>>
      tpu.enqueue_dma source(%dma_start3A_166 : memref<8x128xi32, #tpu.memory_space<hbm>>) target(%arg5 : memref<8x128xi32, #tpu.memory_space<vmem>>) target_semaphore(%run_scoped3A : memref<!tpu.dma_semaphore, #tpu.memory_space<semaphore_mem>>)
      %dma_wait3A_167 = arith.constant 0 : i32
      %dma_wait3A_168 = tpu.memref_slice %arg2[%mul3A_2, %dma_wait3A_167] : memref<256x128xi32, #tpu.memory_space<hbm>> -> memref<8x128xi32, #tpu.memory_space<hbm>>
      %dma_wait3A_169 = arith.constant 0 : i32
      %dma_wait3A_170 = tpu.memref_slice %arg2[%mul3A_2, %dma_wait3A_169] : memref<256x128xi32, #tpu.memory_space<hbm>> -> memref<8x128xi32, #tpu.memory_space<hbm>>
      tpu.wait_dma2 semaphore(%run_scoped3A : memref<!tpu.dma_semaphore, #tpu.memory_space<semaphore_mem>>) src(%dma_wait3A_170 : memref<8x128xi32, #tpu.memory_space<hbm>>) dst(%arg5 : memref<8x128xi32, #tpu.memory_space<vmem>>)
      tpu.yield
    }) : () -> ()
    %dma_start3A = arith.constant 0 : i32
    %dma_start3A_3 = arith.constant 0 : i32
    %dma_start3A_4 = arith.constant 0 : i32
    %dma_start3A_5 = tpu.memref_slice %arg6[%dma_start3A_3, %dma_start3A_4] : memref<1024x24xf32, #tpu.memory_space<vmem>> -> memref<128x24xf32, #tpu.memory_space<vmem>>
    %dma_start3A_6 = arith.constant 0 : i32
    %dma_start3A_7 = tpu.memref_slice %arg5[%dma_start3A, %dma_start3A_6] : memref<8x128xi32, #tpu.memory_space<vmem>> -> memref<1x128xi32, #tpu.memory_space<vmem>>
    %dma_start3A_8 = tpu.memref_squeeze %dma_start3A_7 : memref<1x128xi32, #tpu.memory_space<vmem>> -> memref<128xi32, #tpu.memory_space<vmem>>
    %dma_start3A_9 = arith.constant 0 : i32
    %dma_start3A_10 = arith.constant 0 : i32
    %dma_start3A_11 = tpu.memref_slice %arg3[%dma_start3A_9, %dma_start3A_10] : memref<1100000x24xf32, #tpu.memory_space<hbm>> -> memref<1100000x24xf32, #tpu.memory_space<hbm>>
    tpu.enqueue_indirect_dma source(%dma_start3A_11 : memref<1100000x24xf32, #tpu.memory_space<hbm>>) target(%dma_start3A_5 : memref<128x24xf32, #tpu.memory_space<vmem>>) offsets(%dma_start3A_8 : memref<128xi32, #tpu.memory_space<vmem>>) semaphore(%arg7 : memref<!tpu.dma_semaphore, #tpu.memory_space<semaphore_mem>>)
    %dma_start3A_12 = arith.constant 1 : i32
    %dma_start3A_13 = arith.constant 128 : i32
    %dma_start3A_14 = arith.constant 0 : i32
    %dma_start3A_15 = tpu.memref_slice %arg6[%dma_start3A_13, %dma_start3A_14] : memref<1024x24xf32, #tpu.memory_space<vmem>> -> memref<128x24xf32, #tpu.memory_space<vmem>>
    %dma_start3A_16 = arith.constant 0 : i32
    %dma_start3A_17 = tpu.memref_slice %arg5[%dma_start3A_12, %dma_start3A_16] : memref<8x128xi32, #tpu.memory_space<vmem>> -> memref<1x128xi32, #tpu.memory_space<vmem>>
    %dma_start3A_18 = tpu.memref_squeeze %dma_start3A_17 : memref<1x128xi32, #tpu.memory_space<vmem>> -> memref<128xi32, #tpu.memory_space<vmem>>
    %dma_start3A_19 = arith.constant 0 : i32
    %dma_start3A_20 = arith.constant 0 : i32
    %dma_start3A_21 = tpu.memref_slice %arg3[%dma_start3A_19, %dma_start3A_20] : memref<1100000x24xf32, #tpu.memory_space<hbm>> -> memref<1100000x24xf32, #tpu.memory_space<hbm>>
    tpu.enqueue_indirect_dma source(%dma_start3A_21 : memref<1100000x24xf32, #tpu.memory_space<hbm>>) target(%dma_start3A_15 : memref<128x24xf32, #tpu.memory_space<vmem>>) offsets(%dma_start3A_18 : memref<128xi32, #tpu.memory_space<vmem>>) semaphore(%arg7 : memref<!tpu.dma_semaphore, #tpu.memory_space<semaphore_mem>>)
    %dma_start3A_22 = arith.constant 2 : i32
    %dma_start3A_23 = arith.constant 256 : i32
    %dma_start3A_24 = arith.constant 0 : i32
    %dma_start3A_25 = tpu.memref_slice %arg6[%dma_start3A_23, %dma_start3A_24] : memref<1024x24xf32, #tpu.memory_space<vmem>> -> memref<128x24xf32, #tpu.memory_space<vmem>>
    %dma_start3A_26 = arith.constant 0 : i32
    %dma_start3A_27 = tpu.memref_slice %arg5[%dma_start3A_22, %dma_start3A_26] : memref<8x128xi32, #tpu.memory_space<vmem>> -> memref<1x128xi32, #tpu.memory_space<vmem>>
    %dma_start3A_28 = tpu.memref_squeeze %dma_start3A_27 : memref<1x128xi32, #tpu.memory_space<vmem>> -> memref<128xi32, #tpu.memory_space<vmem>>
    %dma_start3A_29 = arith.constant 0 : i32
    %dma_start3A_30 = arith.constant 0 : i32
    %dma_start3A_31 = tpu.memref_slice %arg3[%dma_start3A_29, %dma_start3A_30] : memref<1100000x24xf32, #tpu.memory_space<hbm>> -> memref<1100000x24xf32, #tpu.memory_space<hbm>>
    tpu.enqueue_indirect_dma source(%dma_start3A_31 : memref<1100000x24xf32, #tpu.memory_space<hbm>>) target(%dma_start3A_25 : memref<128x24xf32, #tpu.memory_space<vmem>>) offsets(%dma_start3A_28 : memref<128xi32, #tpu.memory_space<vmem>>) semaphore(%arg7 : memref<!tpu.dma_semaphore, #tpu.memory_space<semaphore_mem>>)
    %dma_start3A_32 = arith.constant 3 : i32
    %dma_start3A_33 = arith.constant 384 : i32
    %dma_start3A_34 = arith.constant 0 : i32
    %dma_start3A_35 = tpu.memref_slice %arg6[%dma_start3A_33, %dma_start3A_34] : memref<1024x24xf32, #tpu.memory_space<vmem>> -> memref<128x24xf32, #tpu.memory_space<vmem>>
    %dma_start3A_36 = arith.constant 0 : i32
    %dma_start3A_37 = tpu.memref_slice %arg5[%dma_start3A_32, %dma_start3A_36] : memref<8x128xi32, #tpu.memory_space<vmem>> -> memref<1x128xi32, #tpu.memory_space<vmem>>
    %dma_start3A_38 = tpu.memref_squeeze %dma_start3A_37 : memref<1x128xi32, #tpu.memory_space<vmem>> -> memref<128xi32, #tpu.memory_space<vmem>>
    %dma_start3A_39 = arith.constant 0 : i32
    %dma_start3A_40 = arith.constant 0 : i32
    %dma_start3A_41 = tpu.memref_slice %arg3[%dma_start3A_39, %dma_start3A_40] : memref<1100000x24xf32, #tpu.memory_space<hbm>> -> memref<1100000x24xf32, #tpu.memory_space<hbm>>
    tpu.enqueue_indirect_dma source(%dma_start3A_41 : memref<1100000x24xf32, #tpu.memory_space<hbm>>) target(%dma_start3A_35 : memref<128x24xf32, #tpu.memory_space<vmem>>) offsets(%dma_start3A_38 : memref<128xi32, #tpu.memory_space<vmem>>) semaphore(%arg7 : memref<!tpu.dma_semaphore, #tpu.memory_space<semaphore_mem>>)
    %dma_start3A_42 = arith.constant 4 : i32
    %dma_start3A_43 = arith.constant 512 : i32
    %dma_start3A_44 = arith.constant 0 : i32
    %dma_start3A_45 = tpu.memref_slice %arg6[%dma_start3A_43, %dma_start3A_44] : memref<1024x24xf32, #tpu.memory_space<vmem>> -> memref<128x24xf32, #tpu.memory_space<vmem>>
    %dma_start3A_46 = arith.constant 0 : i32
    %dma_start3A_47 = tpu.memref_slice %arg5[%dma_start3A_42, %dma_start3A_46] : memref<8x128xi32, #tpu.memory_space<vmem>> -> memref<1x128xi32, #tpu.memory_space<vmem>>
    %dma_start3A_48 = tpu.memref_squeeze %dma_start3A_47 : memref<1x128xi32, #tpu.memory_space<vmem>> -> memref<128xi32, #tpu.memory_space<vmem>>
    %dma_start3A_49 = arith.constant 0 : i32
    %dma_start3A_50 = arith.constant 0 : i32
    %dma_start3A_51 = tpu.memref_slice %arg3[%dma_start3A_49, %dma_start3A_50] : memref<1100000x24xf32, #tpu.memory_space<hbm>> -> memref<1100000x24xf32, #tpu.memory_space<hbm>>
    tpu.enqueue_indirect_dma source(%dma_start3A_51 : memref<1100000x24xf32, #tpu.memory_space<hbm>>) target(%dma_start3A_45 : memref<128x24xf32, #tpu.memory_space<vmem>>) offsets(%dma_start3A_48 : memref<128xi32, #tpu.memory_space<vmem>>) semaphore(%arg7 : memref<!tpu.dma_semaphore, #tpu.memory_space<semaphore_mem>>)
    %dma_start3A_52 = arith.constant 5 : i32
    %dma_start3A_53 = arith.constant 640 : i32
    %dma_start3A_54 = arith.constant 0 : i32
    %dma_start3A_55 = tpu.memref_slice %arg6[%dma_start3A_53, %dma_start3A_54] : memref<1024x24xf32, #tpu.memory_space<vmem>> -> memref<128x24xf32, #tpu.memory_space<vmem>>
    %dma_start3A_56 = arith.constant 0 : i32
    %dma_start3A_57 = tpu.memref_slice %arg5[%dma_start3A_52, %dma_start3A_56] : memref<8x128xi32, #tpu.memory_space<vmem>> -> memref<1x128xi32, #tpu.memory_space<vmem>>
    %dma_start3A_58 = tpu.memref_squeeze %dma_start3A_57 : memref<1x128xi32, #tpu.memory_space<vmem>> -> memref<128xi32, #tpu.memory_space<vmem>>
    %dma_start3A_59 = arith.constant 0 : i32
    %dma_start3A_60 = arith.constant 0 : i32
    %dma_start3A_61 = tpu.memref_slice %arg3[%dma_start3A_59, %dma_start3A_60] : memref<1100000x24xf32, #tpu.memory_space<hbm>> -> memref<1100000x24xf32, #tpu.memory_space<hbm>>
    tpu.enqueue_indirect_dma source(%dma_start3A_61 : memref<1100000x24xf32, #tpu.memory_space<hbm>>) target(%dma_start3A_55 : memref<128x24xf32, #tpu.memory_space<vmem>>) offsets(%dma_start3A_58 : memref<128xi32, #tpu.memory_space<vmem>>) semaphore(%arg7 : memref<!tpu.dma_semaphore, #tpu.memory_space<semaphore_mem>>)
    %dma_start3A_62 = arith.constant 6 : i32
    %dma_start3A_63 = arith.constant 768 : i32
    %dma_start3A_64 = arith.constant 0 : i32
    %dma_start3A_65 = tpu.memref_slice %arg6[%dma_start3A_63, %dma_start3A_64] : memref<1024x24xf32, #tpu.memory_space<vmem>> -> memref<128x24xf32, #tpu.memory_space<vmem>>
    %dma_start3A_66 = arith.constant 0 : i32
    %dma_start3A_67 = tpu.memref_slice %arg5[%dma_start3A_62, %dma_start3A_66] : memref<8x128xi32, #tpu.memory_space<vmem>> -> memref<1x128xi32, #tpu.memory_space<vmem>>
    %dma_start3A_68 = tpu.memref_squeeze %dma_start3A_67 : memref<1x128xi32, #tpu.memory_space<vmem>> -> memref<128xi32, #tpu.memory_space<vmem>>
    %dma_start3A_69 = arith.constant 0 : i32
    %dma_start3A_70 = arith.constant 0 : i32
    %dma_start3A_71 = tpu.memref_slice %arg3[%dma_start3A_69, %dma_start3A_70] : memref<1100000x24xf32, #tpu.memory_space<hbm>> -> memref<1100000x24xf32, #tpu.memory_space<hbm>>
    tpu.enqueue_indirect_dma source(%dma_start3A_71 : memref<1100000x24xf32, #tpu.memory_space<hbm>>) target(%dma_start3A_65 : memref<128x24xf32, #tpu.memory_space<vmem>>) offsets(%dma_start3A_68 : memref<128xi32, #tpu.memory_space<vmem>>) semaphore(%arg7 : memref<!tpu.dma_semaphore, #tpu.memory_space<semaphore_mem>>)
    %dma_start3A_72 = arith.constant 7 : i32
    %dma_start3A_73 = arith.constant 896 : i32
    %dma_start3A_74 = arith.constant 0 : i32
    %dma_start3A_75 = tpu.memref_slice %arg6[%dma_start3A_73, %dma_start3A_74] : memref<1024x24xf32, #tpu.memory_space<vmem>> -> memref<128x24xf32, #tpu.memory_space<vmem>>
    %dma_start3A_76 = arith.constant 0 : i32
    %dma_start3A_77 = tpu.memref_slice %arg5[%dma_start3A_72, %dma_start3A_76] : memref<8x128xi32, #tpu.memory_space<vmem>> -> memref<1x128xi32, #tpu.memory_space<vmem>>
    %dma_start3A_78 = tpu.memref_squeeze %dma_start3A_77 : memref<1x128xi32, #tpu.memory_space<vmem>> -> memref<128xi32, #tpu.memory_space<vmem>>
    %dma_start3A_79 = arith.constant 0 : i32
    %dma_start3A_80 = arith.constant 0 : i32
    %dma_start3A_81 = tpu.memref_slice %arg3[%dma_start3A_79, %dma_start3A_80] : memref<1100000x24xf32, #tpu.memory_space<hbm>> -> memref<1100000x24xf32, #tpu.memory_space<hbm>>
    tpu.enqueue_indirect_dma source(%dma_start3A_81 : memref<1100000x24xf32, #tpu.memory_space<hbm>>) target(%dma_start3A_75 : memref<128x24xf32, #tpu.memory_space<vmem>>) offsets(%dma_start3A_78 : memref<128xi32, #tpu.memory_space<vmem>>) semaphore(%arg7 : memref<!tpu.dma_semaphore, #tpu.memory_space<semaphore_mem>>)
    %dma_wait3A = arith.constant 0 : i32
    %dma_wait3A_82 = arith.constant 0 : i32
    %dma_wait3A_83 = arith.constant 0 : i32
    %dma_wait3A_84 = tpu.memref_slice %arg6[%dma_wait3A_82, %dma_wait3A_83] : memref<1024x24xf32, #tpu.memory_space<vmem>> -> memref<128x24xf32, #tpu.memory_space<vmem>>
    %dma_wait3A_85 = arith.constant 0 : i32
    %dma_wait3A_86 = tpu.memref_slice %arg5[%dma_wait3A, %dma_wait3A_85] : memref<8x128xi32, #tpu.memory_space<vmem>> -> memref<1x128xi32, #tpu.memory_space<vmem>>
    %dma_wait3A_87 = tpu.memref_squeeze %dma_wait3A_86 : memref<1x128xi32, #tpu.memory_space<vmem>> -> memref<128xi32, #tpu.memory_space<vmem>>
    %dma_wait3A_88 = arith.constant 0 : i32
    %dma_wait3A_89 = arith.constant 0 : i32
    %dma_wait3A_90 = tpu.memref_slice %arg3[%dma_wait3A_88, %dma_wait3A_89] : memref<1100000x24xf32, #tpu.memory_space<hbm>> -> memref<1100000x24xf32, #tpu.memory_space<hbm>>
    tpu.wait_indirect_dma semaphore(%arg7 : memref<!tpu.dma_semaphore, #tpu.memory_space<semaphore_mem>>) src(%dma_wait3A_90 : memref<1100000x24xf32, #tpu.memory_space<hbm>>) dst(%dma_wait3A_84 : memref<128x24xf32, #tpu.memory_space<vmem>>)
    %dma_wait3A_91 = arith.constant 1 : i32
    %dma_wait3A_92 = arith.constant 128 : i32
    %dma_wait3A_93 = arith.constant 0 : i32
    %dma_wait3A_94 = tpu.memref_slice %arg6[%dma_wait3A_92, %dma_wait3A_93] : memref<1024x24xf32, #tpu.memory_space<vmem>> -> memref<128x24xf32, #tpu.memory_space<vmem>>
    %dma_wait3A_95 = arith.constant 0 : i32
    %dma_wait3A_96 = tpu.memref_slice %arg5[%dma_wait3A_91, %dma_wait3A_95] : memref<8x128xi32, #tpu.memory_space<vmem>> -> memref<1x128xi32, #tpu.memory_space<vmem>>
    %dma_wait3A_97 = tpu.memref_squeeze %dma_wait3A_96 : memref<1x128xi32, #tpu.memory_space<vmem>> -> memref<128xi32, #tpu.memory_space<vmem>>
    %dma_wait3A_98 = arith.constant 0 : i32
    %dma_wait3A_99 = arith.constant 0 : i32
    %dma_wait3A_100 = tpu.memref_slice %arg3[%dma_wait3A_98, %dma_wait3A_99] : memref<1100000x24xf32, #tpu.memory_space<hbm>> -> memref<1100000x24xf32, #tpu.memory_space<hbm>>
    tpu.wait_indirect_dma semaphore(%arg7 : memref<!tpu.dma_semaphore, #tpu.memory_space<semaphore_mem>>) src(%dma_wait3A_100 : memref<1100000x24xf32, #tpu.memory_space<hbm>>) dst(%dma_wait3A_94 : memref<128x24xf32, #tpu.memory_space<vmem>>)
    %dma_wait3A_101 = arith.constant 2 : i32
    %dma_wait3A_102 = arith.constant 256 : i32
    %dma_wait3A_103 = arith.constant 0 : i32
    %dma_wait3A_104 = tpu.memref_slice %arg6[%dma_wait3A_102, %dma_wait3A_103] : memref<1024x24xf32, #tpu.memory_space<vmem>> -> memref<128x24xf32, #tpu.memory_space<vmem>>
    %dma_wait3A_105 = arith.constant 0 : i32
    %dma_wait3A_106 = tpu.memref_slice %arg5[%dma_wait3A_101, %dma_wait3A_105] : memref<8x128xi32, #tpu.memory_space<vmem>> -> memref<1x128xi32, #tpu.memory_space<vmem>>
    %dma_wait3A_107 = tpu.memref_squeeze %dma_wait3A_106 : memref<1x128xi32, #tpu.memory_space<vmem>> -> memref<128xi32, #tpu.memory_space<vmem>>
    %dma_wait3A_108 = arith.constant 0 : i32
    %dma_wait3A_109 = arith.constant 0 : i32
    %dma_wait3A_110 = tpu.memref_slice %arg3[%dma_wait3A_108, %dma_wait3A_109] : memref<1100000x24xf32, #tpu.memory_space<hbm>> -> memref<1100000x24xf32, #tpu.memory_space<hbm>>
    tpu.wait_indirect_dma semaphore(%arg7 : memref<!tpu.dma_semaphore, #tpu.memory_space<semaphore_mem>>) src(%dma_wait3A_110 : memref<1100000x24xf32, #tpu.memory_space<hbm>>) dst(%dma_wait3A_104 : memref<128x24xf32, #tpu.memory_space<vmem>>)
    %dma_wait3A_111 = arith.constant 3 : i32
    %dma_wait3A_112 = arith.constant 384 : i32
    %dma_wait3A_113 = arith.constant 0 : i32
    %dma_wait3A_114 = tpu.memref_slice %arg6[%dma_wait3A_112, %dma_wait3A_113] : memref<1024x24xf32, #tpu.memory_space<vmem>> -> memref<128x24xf32, #tpu.memory_space<vmem>>
    %dma_wait3A_115 = arith.constant 0 : i32
    %dma_wait3A_116 = tpu.memref_slice %arg5[%dma_wait3A_111, %dma_wait3A_115] : memref<8x128xi32, #tpu.memory_space<vmem>> -> memref<1x128xi32, #tpu.memory_space<vmem>>
    %dma_wait3A_117 = tpu.memref_squeeze %dma_wait3A_116 : memref<1x128xi32, #tpu.memory_space<vmem>> -> memref<128xi32, #tpu.memory_space<vmem>>
    %dma_wait3A_118 = arith.constant 0 : i32
    %dma_wait3A_119 = arith.constant 0 : i32
    %dma_wait3A_120 = tpu.memref_slice %arg3[%dma_wait3A_118, %dma_wait3A_119] : memref<1100000x24xf32, #tpu.memory_space<hbm>> -> memref<1100000x24xf32, #tpu.memory_space<hbm>>
    tpu.wait_indirect_dma semaphore(%arg7 : memref<!tpu.dma_semaphore, #tpu.memory_space<semaphore_mem>>) src(%dma_wait3A_120 : memref<1100000x24xf32, #tpu.memory_space<hbm>>) dst(%dma_wait3A_114 : memref<128x24xf32, #tpu.memory_space<vmem>>)
    %dma_wait3A_121 = arith.constant 4 : i32
    %dma_wait3A_122 = arith.constant 512 : i32
    %dma_wait3A_123 = arith.constant 0 : i32
    %dma_wait3A_124 = tpu.memref_slice %arg6[%dma_wait3A_122, %dma_wait3A_123] : memref<1024x24xf32, #tpu.memory_space<vmem>> -> memref<128x24xf32, #tpu.memory_space<vmem>>
    %dma_wait3A_125 = arith.constant 0 : i32
    %dma_wait3A_126 = tpu.memref_slice %arg5[%dma_wait3A_121, %dma_wait3A_125] : memref<8x128xi32, #tpu.memory_space<vmem>> -> memref<1x128xi32, #tpu.memory_space<vmem>>
    %dma_wait3A_127 = tpu.memref_squeeze %dma_wait3A_126 : memref<1x128xi32, #tpu.memory_space<vmem>> -> memref<128xi32, #tpu.memory_space<vmem>>
    %dma_wait3A_128 = arith.constant 0 : i32
    %dma_wait3A_129 = arith.constant 0 : i32
    %dma_wait3A_130 = tpu.memref_slice %arg3[%dma_wait3A_128, %dma_wait3A_129] : memref<1100000x24xf32, #tpu.memory_space<hbm>> -> memref<1100000x24xf32, #tpu.memory_space<hbm>>
    tpu.wait_indirect_dma semaphore(%arg7 : memref<!tpu.dma_semaphore, #tpu.memory_space<semaphore_mem>>) src(%dma_wait3A_130 : memref<1100000x24xf32, #tpu.memory_space<hbm>>) dst(%dma_wait3A_124 : memref<128x24xf32, #tpu.memory_space<vmem>>)
    %dma_wait3A_131 = arith.constant 5 : i32
    %dma_wait3A_132 = arith.constant 640 : i32
    %dma_wait3A_133 = arith.constant 0 : i32
    %dma_wait3A_134 = tpu.memref_slice %arg6[%dma_wait3A_132, %dma_wait3A_133] : memref<1024x24xf32, #tpu.memory_space<vmem>> -> memref<128x24xf32, #tpu.memory_space<vmem>>
    %dma_wait3A_135 = arith.constant 0 : i32
    %dma_wait3A_136 = tpu.memref_slice %arg5[%dma_wait3A_131, %dma_wait3A_135] : memref<8x128xi32, #tpu.memory_space<vmem>> -> memref<1x128xi32, #tpu.memory_space<vmem>>
    %dma_wait3A_137 = tpu.memref_squeeze %dma_wait3A_136 : memref<1x128xi32, #tpu.memory_space<vmem>> -> memref<128xi32, #tpu.memory_space<vmem>>
    %dma_wait3A_138 = arith.constant 0 : i32
    %dma_wait3A_139 = arith.constant 0 : i32
    %dma_wait3A_140 = tpu.memref_slice %arg3[%dma_wait3A_138, %dma_wait3A_139] : memref<1100000x24xf32, #tpu.memory_space<hbm>> -> memref<1100000x24xf32, #tpu.memory_space<hbm>>
    tpu.wait_indirect_dma semaphore(%arg7 : memref<!tpu.dma_semaphore, #tpu.memory_space<semaphore_mem>>) src(%dma_wait3A_140 : memref<1100000x24xf32, #tpu.memory_space<hbm>>) dst(%dma_wait3A_134 : memref<128x24xf32, #tpu.memory_space<vmem>>)
    %dma_wait3A_141 = arith.constant 6 : i32
    %dma_wait3A_142 = arith.constant 768 : i32
    %dma_wait3A_143 = arith.constant 0 : i32
    %dma_wait3A_144 = tpu.memref_slice %arg6[%dma_wait3A_142, %dma_wait3A_143] : memref<1024x24xf32, #tpu.memory_space<vmem>> -> memref<128x24xf32, #tpu.memory_space<vmem>>
    %dma_wait3A_145 = arith.constant 0 : i32
    %dma_wait3A_146 = tpu.memref_slice %arg5[%dma_wait3A_141, %dma_wait3A_145] : memref<8x128xi32, #tpu.memory_space<vmem>> -> memref<1x128xi32, #tpu.memory_space<vmem>>
    %dma_wait3A_147 = tpu.memref_squeeze %dma_wait3A_146 : memref<1x128xi32, #tpu.memory_space<vmem>> -> memref<128xi32, #tpu.memory_space<vmem>>
    %dma_wait3A_148 = arith.constant 0 : i32
    %dma_wait3A_149 = arith.constant 0 : i32
    %dma_wait3A_150 = tpu.memref_slice %arg3[%dma_wait3A_148, %dma_wait3A_149] : memref<1100000x24xf32, #tpu.memory_space<hbm>> -> memref<1100000x24xf32, #tpu.memory_space<hbm>>
    tpu.wait_indirect_dma semaphore(%arg7 : memref<!tpu.dma_semaphore, #tpu.memory_space<semaphore_mem>>) src(%dma_wait3A_150 : memref<1100000x24xf32, #tpu.memory_space<hbm>>) dst(%dma_wait3A_144 : memref<128x24xf32, #tpu.memory_space<vmem>>)
    %dma_wait3A_151 = arith.constant 7 : i32
    %dma_wait3A_152 = arith.constant 896 : i32
    %dma_wait3A_153 = arith.constant 0 : i32
    %dma_wait3A_154 = tpu.memref_slice %arg6[%dma_wait3A_152, %dma_wait3A_153] : memref<1024x24xf32, #tpu.memory_space<vmem>> -> memref<128x24xf32, #tpu.memory_space<vmem>>
    %dma_wait3A_155 = arith.constant 0 : i32
    %dma_wait3A_156 = tpu.memref_slice %arg5[%dma_wait3A_151, %dma_wait3A_155] : memref<8x128xi32, #tpu.memory_space<vmem>> -> memref<1x128xi32, #tpu.memory_space<vmem>>
    %dma_wait3A_157 = tpu.memref_squeeze %dma_wait3A_156 : memref<1x128xi32, #tpu.memory_space<vmem>> -> memref<128xi32, #tpu.memory_space<vmem>>
    %dma_wait3A_158 = arith.constant 0 : i32
    %dma_wait3A_159 = arith.constant 0 : i32
    %dma_wait3A_160 = tpu.memref_slice %arg3[%dma_wait3A_158, %dma_wait3A_159] : memref<1100000x24xf32, #tpu.memory_space<hbm>> -> memref<1100000x24xf32, #tpu.memory_space<hbm>>
    tpu.wait_indirect_dma semaphore(%arg7 : memref<!tpu.dma_semaphore, #tpu.memory_space<semaphore_mem>>) src(%dma_wait3A_160 : memref<1100000x24xf32, #tpu.memory_space<hbm>>) dst(%dma_wait3A_154 : memref<128x24xf32, #tpu.memory_space<vmem>>)
    %mul3A_161 = arith.constant 1024 : i32
    %mul3A_162 = arith.muli %add3A, %mul3A_161 : i32
    "tpu.region"() ({
      %run_scoped3A = tpu.sem_alloc : memref<!tpu.dma_semaphore, #tpu.memory_space<semaphore_mem>>
      %dma_start3A_163 = arith.constant 0 : i32
      %dma_start3A_164 = tpu.memref_slice %arg4[%mul3A_162, %dma_start3A_163] : memref<32768x24xf32, #tpu.memory_space<hbm>> -> memref<1024x24xf32, #tpu.memory_space<hbm>>
      %dma_start3A_165 = arith.constant 0 : i32
      %dma_start3A_166 = tpu.memref_slice %arg4[%mul3A_162, %dma_start3A_165] : memref<32768x24xf32, #tpu.memory_space<hbm>> -> memref<1024x24xf32, #tpu.memory_space<hbm>>
      tpu.enqueue_dma source(%arg6 : memref<1024x24xf32, #tpu.memory_space<vmem>>) target(%dma_start3A_166 : memref<1024x24xf32, #tpu.memory_space<hbm>>) target_semaphore(%run_scoped3A : memref<!tpu.dma_semaphore, #tpu.memory_space<semaphore_mem>>)
      %dma_wait3A_167 = arith.constant 0 : i32
      %dma_wait3A_168 = tpu.memref_slice %arg4[%mul3A_162, %dma_wait3A_167] : memref<32768x24xf32, #tpu.memory_space<hbm>> -> memref<1024x24xf32, #tpu.memory_space<hbm>>
      %dma_wait3A_169 = arith.constant 0 : i32
      %dma_wait3A_170 = tpu.memref_slice %arg4[%mul3A_162, %dma_wait3A_169] : memref<32768x24xf32, #tpu.memory_space<hbm>> -> memref<1024x24xf32, #tpu.memory_space<hbm>>
      tpu.wait_dma2 semaphore(%run_scoped3A : memref<!tpu.dma_semaphore, #tpu.memory_space<semaphore_mem>>) src(%arg6 : memref<1024x24xf32, #tpu.memory_space<vmem>>) dst(%dma_wait3A_170 : memref<1024x24xf32, #tpu.memory_space<hbm>>)
      tpu.yield
    }) : () -> ()
    return
  }
}

</mosaic_0001>

<sc_bundles>
// kernel: kernel.3.cloned.1.call-start
scs
__scs_entry_jumppad:
0x0: {  	(pc) =	sbr.rel $0x88, $3  }
0x1: {  	(tag) =	ssettag $0x0;
	lr =	simm.s32 $0x1  }
0x2: {  	[smem:$0x3F9D] =	sst lr;
	_ =	strace $0xD0000000  }
0x3: {  	_ = 	snop  }
0x4: {  	_ = 	snop  }
0x5: {  	_ = 	snop  }
0x6: {  	_ = 	snop  }
0x7: {  	_ = 	snop  }
__scs_overlays_trampoline_lowered:
0x8: {  	[smem:$0x3FAC] =	sst s0  }
0x9: {  	[smem:$0x3FAD] =	sst s1  }
0xa: {  	[smem:$0x3FAE] =	sst s2  }
0xb: {  	[smem:$0x3FAF] =	sst s3  }
0xc: {  	[smem:$0x3FB0] =	sst s4  }
0xd: {  	[smem:$0x3FB1] =	sst s5  }
0xe: {  	[smem:$0x3FB2] =	sst s6  }
0xf: {  	[smem:$0x3FB3] =	sst s7  }
0x10: {  	[smem:$0x3FB4] =	sst s8  }
0x11: {  	[smem:$0x3FB5] =	sst s9;
	s0 =	simm.s32 @!p0 $0x0  }
0x12: {  	s1 =	sld [smem:$0x3F9B];
	s0 =	simm.s32 @p0 $0x1  }
0x13: {  	[smem:$0x3FB6] =	sst s0;
	s0 =	simm.s32 @!p1 $0x0  }
0x14: {  	s2 =	sld [smem:$0x3F9A];
	s0 =	simm.s32 @p1 $0x1  }
0x15: {  	[smem:$0x3FB7] =	sst s0;
	s0 =	simm.s32 @!p2 $0x0  }
0x16: {  	s3 =	sld [smem:$0x3FDB];
	s0 =	simm.s32 @p2 $0x1  }
0x17: {  	s4 =	simm.s32 $0x1BF5;
	[smem:$0x3FB9] =	sst s0  }
0x18: {  	s0 =	sld [smem:$0x3F9C];
	_ =	swait.ge [sflag:s4], $0x0  }
0x19: {  	s7 =	sld [smem:$0x3F9D]  }
0x1a: {  	s8 =	sadd.s32 $0xFFFFE003, lr  }
0x1b: {  	s9 =	sadd.s32 $0xFFFFFEF7, lr;
	s5 =	simm.s32 $0xFFFFFFFF;
	p2 =	slt.u32 s8, $0xFFFFF086  }
0x1c: {  	p1 =	slt.u32 s9, $0xF7A;
	s5 =	simm.s32 @!p2 $0x0  }
0x1d: {  	s5 =	simm.s32 @p1 $0x1;
	p0 =	seq.s32 s7, s2  }
0x1e: {  	s7 =	smul.u32 @!p0 $0xF7A, s2;
	p2 =	seq.s32 @!p0 s5, $0x0  }
0x1f: {  	s9 =	smul.u32 $0xF7A, s1;
	s8 =	simm.s32 @!p0 $0x1BF5;
	p2 =	por !p2, p0  }
0x20: {  	[sflag:s8] =	ssyncset.s32 @!p0 $0xFFFFF086;
	s6 =	sadd.s32 @!p0 s3, s7;
	s7 =	simm.s32 @!p0 $0x108  }
0x21: {  	s3 =	sadd.s32 s3, s9;
	s6 =	sadd.s32 @!p0 $0x88, s6;
	s7 =	simm.s32 @p2 $0x1082  }
0x22: {  	[simem:s7], [sflag:s8] =	dma.local @!p0 [hbm:s6], $0xF7A  }
0x23: {  	s9 =	sor.u32 $0xD0000000, s2;
	s6 =	simm.s32 $0x108;
	_ =	swait.ge @!p0 [sflag:s8], $0x0  }
0x24: {  	s3 =	sadd.s32 $0x88, s3;
	s6 =	simm.s32 @!p1 $0x1082;
	[sflag:s4] =	ssyncset.s32 $0xFFFFF086  }
0x25: {  	[simem:s6], [sflag:s4] =	dma.local [hbm:s3], $0xF7A  }
0x26: {  	[smem:$0x3F9D] =	sst s1;
	(tag) =	ssettag s2;
	_ =	strace s9  }
0x27: {  	s1 =	sld [smem:$0x3FAD]  }
0x28: {  	s2 =	sld [smem:$0x3FAE]  }
0x29: {  	s4 =	sld [smem:$0x3FB0]  }
0x2a: {  	p0 =	seq.s32 s5, $0x0;
	s5 =	sld [smem:$0x3FB1]  }
0x2b: {  	s6 =	sld [smem:$0x3FB2]  }
0x2c: {  	s7 =	sld [smem:$0x3FB3]  }
0x2d: {  	s3 =	simm.s32 $0x108;
	s8 =	sld [smem:$0x3FB4]  }
0x2e: {  	s3 =	simm.s32 @!p0 $0x1082;
	s9 =	sld [smem:$0x3FB5]  }
0x2f: {  	lr =	sadd.s32 s0, s3;
	s0 =	sld [smem:$0x3FAC]  }
0x30: {  	s3 =	sld [smem:$0x3FAF]  }
0x31: {  	[smem:$0x3FB8] =	sst s10  }
0x32: {  	s10 =	sld [smem:$0x3FB6];
	_ =	sdelay $0x3  }
0x33: {  	p0 =	seq.s32 s10, $0x1;
	s10 =	sld [smem:$0x3FB8];
	_ =	sdelay $0x3  }
0x34: {  	[smem:$0x3FB8] =	sst s10  }
0x35: {  	s10 =	sld [smem:$0x3FB7];
	_ =	sdelay $0x3  }
0x36: {  	p1 =	seq.s32 s10, $0x1;
	s10 =	sld [smem:$0x3FB8];
	_ =	sdelay $0x3  }
0x37: {  	[smem:$0x3FB8] =	sst s10  }
0x38: {  	s10 =	sld [smem:$0x3FB9]  }
0x39: {  	_ = 	snop;
	(pc) =	sbr.ind lr, $3  }
0x3a: {  	_ = 	snop  }
0x3b: {  	_ = 	snop  }
0x3c: {  	p2 =	seq.s32 s10, $0x1;
	s10 =	sld [smem:$0x3FB8]  }
0x3d: {  	_ =	shalt  }
0x3e: {  	_ =	shalt  }
0x3f: {  	_ =	shalt  }
0x40: {  	_ =	shalt  }
0x41: {  	_ =	shalt  }
0x42: {  	_ =	shalt  }
0x43: {  	_ =	shalt  }
0x44: {  	_ =	shalt  }
0x45: {  	_ =	shalt  }
0x46: {  	_ =	shalt  }
0x47: {  	_ =	shalt  }
0x48: {  	_ =	shalt  }
0x49: {  	_ =	shalt  }
0x4a: {  	_ =	shalt  }
0x4b: {  	_ =	shalt  }
0x4c: {  	_ =	shalt  }
0x4d: {  	_ =	shalt  }
0x4e: {  	_ =	shalt  }
0x4f: {  	_ =	shalt  }
0x50: {  	_ =	shalt  }
0x51: {  	_ =	shalt  }
0x52: {  	_ =	shalt  }
0x53: {  	_ =	shalt  }
0x54: {  	_ =	shalt  }
0x55: {  	_ =	shalt  }
0x56: {  	_ =	shalt  }
0x57: {  	_ =	shalt  }
0x58: {  	_ =	shalt  }
0x59: {  	_ =	shalt  }
0x5a: {  	_ =	shalt  }
0x5b: {  	_ =	shalt  }
0x5c: {  	_ =	shalt  }
0x5d: {  	_ =	shalt  }
0x5e: {  	_ =	shalt  }
0x5f: {  	_ =	shalt  }
0x60: {  	_ =	shalt  }
0x61: {  	_ =	shalt  }
0x62: {  	_ =	shalt  }
0x63: {  	_ =	shalt  }
0x64: {  	_ =	shalt  }
0x65: {  	_ =	shalt  }
0x66: {  	_ =	shalt  }
0x67: {  	_ =	shalt  }
0x68: {  	_ =	shalt  }
0x69: {  	_ =	shalt  }
0x6a: {  	_ =	shalt  }
0x6b: {  	_ =	shalt  }
0x6c: {  	_ =	shalt  }
0x6d: {  	_ =	shalt  }
0x6e: {  	_ =	shalt  }
0x6f: {  	_ =	shalt  }
0x70: {  	_ =	shalt  }
0x71: {  	_ =	shalt  }
0x72: {  	_ =	shalt  }
0x73: {  	_ =	shalt  }
0x74: {  	_ =	shalt  }
0x75: {  	_ =	shalt  }
0x76: {  	_ =	shalt  }
0x77: {  	_ =	shalt  }
0x78: {  	_ =	shalt  }
0x79: {  	_ =	shalt  }
0x7a: {  	_ =	shalt  }
0x7b: {  	_ =	shalt  }
0x7c: {  	_ =	shalt  }
0x7d: {  	_ =	shalt  }
0x7e: {  	_ =	shalt  }
0x7f: {  	_ =	shalt  }
0x80: {  	_ =	shalt  }
0x81: {  	_ =	shalt  }
0x82: {  	_ =	shalt  }
0x83: {  	_ =	shalt  }
0x84: {  	_ =	shalt  }
0x85: {  	_ =	shalt  }
0x86: {  	_ =	shalt  }
0x87: {  	_ =	shalt  }
.Lfunc_end0:
.L_simem_size_0:
called_computation.1_lowered:
.L_overlay_start_0:
0x88: {  	s2 =	sld [smem:$0x3FD9]  }
0x89: {  	s3 =	sld [smem:$0x3FFE];
	_ =	sdelay $0x1  }
0x8a: {  	s1 =	srdreg.scid  }
0x8b: {  	s0 =	sand.u32 $0x1, s1  }
0x8c: {  	s17 =	sshll.u32 s0, $0xA;
	s2 =	sadd.s32 s3, s2  }
0x8d: {  	s2 =	sadd.s32 s2, s17  }
0x8e: {  	[smem:$0x3FC4] =	sst s2  }
0x8f: {  	_ = 	snop  }
0x90: {  	s2 =	sld [smem:$0x3FD0];
	(tm) =	ssettm $0x1  }
0x91: {  	s18 =	sld [smem:$0x3FFB];
	_ =	sdelay $0x3  }
0x92: {  	_ =	strace s18  }
0x93: {  	s3 =	sld [smem:$0x3FFC];
	_ =	sdelay $0x3  }
0x94: {  	_ =	strace s3  }
0x95: {  	s3 =	sld [smem:$0x3FFD];
	_ =	sdelay $0x3  }
0x96: {  	_ =	strace s3  }
0x97: {  	_ =	strace $0x8FFFFFFF  }
0x98: {  	s19 =	sld [smem:$0x3FDB];
	_ =	sdelay $0x1  }
0x99: {  	s4 =	simm.s32 $_scs_section_size  }
0x9a: {  	s5 =	simm.s32 $_size__tile_overlayer_lowered;
	s6 =	simm.s32 $_tile_overlayer_lowered  }
0x9b: {  	s22 =	simm.s32 $0x1BFF;
	s21 =	sshll.u32 s6, $0x1;
	s3 =	sadd.s32 s4, s19  }
0x9c: {  	s7 =	simm.s32 $0x0;
	s20 =	sshll.u32 s5, $0x1;
	s5 =	sadd.s32 s21, s3  }
0x9d: {  	[timem:s7], [sflag:s22] =	dma.local [hbm:s5], s20  }
0x9e: {  	_ =	swait.ge [sflag:s22], s20  }
0x9f: {  	s4 =	ssub.s32 $0x0, s20;
	[sflag:s22] =	ssyncset.done $0x0  }
0xa0: {  	[sflag:s22] =	ssyncadd.s32 s4;
	_ =	sdelay $0x1  }
0xa1: {  	s23 =	simm.s32 $0x1B8B  }
0xa2: {  	_ =	swait.ge [sflag:s23], $0x1  }
0xa3: {  	[sflag:s23] =	ssyncset.done $0x0  }
0xa4: {  	s25 =	simm.s32 $0x1B8E;
	s24 =	sld [smem:$0x3FFE];
	[sflag:s23] =	ssyncadd.s32 $0xFFFFFFFF  }
0xa5: {  	s26 =	simm.s32 $execute0_lowered;
	[smem:$0x3FD2] =	sst s25  }
0xa6: {  	s5 =	sshll.u32 s26, $0x1;
	_ =	strace $0x80000049;
	[dreg:$0x1] =	wrdreg $0xFFFFFFFF  }
0xa7: {  	s28 =	simm.s32 $_size_execute0_lowered;
	s3 =	sadd.s32 s3, s5;
	[dreg:$0x0] =	wrdreg $0x0  }
0xa8: {  	s5 =	sshll.u32 s28, $0x1;
	[dreg:$0x2] =	wrdreg s3  }
0xa9: {  	[dreg:$0x3] =	wrdreg s5  }
0xaa: {  	[dreg:$0x4] =	wrdreg $0xC0  }
0xab: {  	_ =	task [dreg:s7], $0x5FFFF  }
0xac: {  	[dreg:$0x1] =	wrdreg $0xFFFFFFFF  }
0xad: {  	[dreg:$0x0] =	wrdreg $0x60  }
0xae: {  	[dreg:$0x2] =	wrdreg s2  }
0xaf: {  	[dreg:$0x3] =	wrdreg s24  }
0xb0: {  	[dreg:$0x4] =	wrdreg $0x9  }
0xb1: {  	_ =	task.clear_ibuf [dreg:s7], $0x5FFFF;
	_ =	strace $0x90000049  }
0xb2: {  	s29 =	simm.s32 $0x9;
	_ =	strace $0x8000004B  }
0xb3: {  	_ =	swait.ge [sflag:s29], $0x1  }
0xb4: {  	[sflag:s29] =	ssyncadd.s32 $0xFFFFFFFF  }
0xb5: {  	_ =	strace $0x9000004B  }
0xb6: {  	_ =	sfence  }
0xb7: {  	s30 =	sld [smem:$0x0];
	_ =	sdelay $0x2  }
0xb8: {  	s31 =	sshll.u32 s1, $0xD;
	s1 =	sshrl.u32 s1, $0x2  }
0xb9: {  	s3 =	sand.u32 $0x4000, s31;
	s1 =	sadd.s32 s1, s30  }
0xba: {  	s0 =	sor.u32 s3, s0;
	s1 =	sshll.u32 s1, $0x11  }
0xbb: {  	s0 =	sor.u32 s1, s0  }
0xbc: {  	s0 =	sadd.s32 $0x8F2B, s0  }
0xbd: {  	[sflag:s0] =	ssyncadd.remote.s32 $0x1  }
0xbe: {  	_ =	sfence.sel $0xFFFF  }
0xbf: {  	[dreg:$0x0] =	wrdreg $0xFFFFFFFF;
	(pc) =	sbr.abs _section_cstart, $3  }
0xc0: {  	[dreg:$0x1] =	wrdreg $0xFFFFFFFF  }
0xc1: {  	_ =	task.clear_ibuf [dreg:s7], $0x2FFFF;
	_ =	strace $0x9FFFFFFF  }
0xc2: {  	(tm) =	ssettm $0x7FFFFFFF  }
0xc3: {  	_ =	shalt  }
tec
execute0_lowered:
.L_overlay_start_1:
0x0: {  	(tag) =	ssettag $0x1  }
0x1: {  	s3 =	rddreg [dreg:$0x0]  }
0x2: {  	s1 =	srdreg.scid;
	s0 =	stileid.u32  }
0x3: {  	s22 =	rddreg [dreg:$0x1];
	s23 =	sand.u32 $0x1, s1;
	s4 =	sshll.u32 s0, $0x1  }
0x4: {  	s2 =	simm.s32 $0x0;
	s1 =	rddreg [dreg:$0x2];
	s24 =	sor.u32 s23, s4  }
0x5: {  	[smem:$0x7FF] =	sst s2;
	s4 =	sshll.u32 s24, $0x7  }
0x6: {  	_ =	strace $0x8000004A;
	s4 =	sadd.s32 s3, s4;
	s3 =	simm.s32 $0x2  }
0x7: {  	[tilespmem:s2], [sflag:$0x2] =	stream.linear.gather [hbm4b:s4+s2], $0x400, $0x38;
	[tilespmem:$0x6400] =	vst v63  }
0x8: {  	_ =	swait.ge [sflag:s3], $0x400  }
0x9: {  	s6 =	simm.s32 $0x80;
	[sflag:s3] =	ssyncset.done $0x0  }
0xa: {  	s7 =	simm.s32 $0x400;
	s5 =	sadd.s32 $0xC00, s22;
	[sflag:s3] =	ssyncadd.s32 $0xFFFFFC00  }
0xb: {  	[tilespmem:s7], [sflag:$0x1] =	stream.indirect.gather [hbm4b:s5+s6], $0x18, s2, s6, $0xb8;
	[tilespmem:$0x6400] =	vst v63  }
0xc: {  	s8 =	simm.s32 $0x1000  }
0xd: {  	[tilespmem:s8], [sflag:$0x1] =	stream.indirect.gather [hbm4b:s5+s6], $0x18, s6, s6, $0xb8;
	[tilespmem:$0x6400] =	vst v63  }
0xe: {  	s9 =	simm.s32 $0x100;
	s10 =	simm.s32 $0x1C00  }
0xf: {  	[tilespmem:s10], [sflag:$0x1] =	stream.indirect.gather [hbm4b:s5+s6], $0x18, s9, s6, $0xb8;
	[tilespmem:$0x6400] =	vst v63  }
0x10: {  	s11 =	simm.s32 $0x180;
	s12 =	simm.s32 $0x2800  }
0x11: {  	[tilespmem:s12], [sflag:$0x1] =	stream.indirect.gather [hbm4b:s5+s6], $0x18, s11, s6, $0xb8;
	[tilespmem:$0x6400] =	vst v63  }
0x12: {  	s13 =	simm.s32 $0x200;
	s14 =	simm.s32 $0x3400  }
0x13: {  	[tilespmem:s14], [sflag:$0x1] =	stream.indirect.gather [hbm4b:s5+s6], $0x18, s13, s6, $0xb8;
	[tilespmem:$0x6400] =	vst v63  }
0x14: {  	s15 =	simm.s32 $0x280;
	s16 =	simm.s32 $0x4000  }
0x15: {  	[tilespmem:s16], [sflag:$0x1] =	stream.indirect.gather [hbm4b:s5+s6], $0x18, s15, s6, $0xb8;
	[tilespmem:$0x6400] =	vst v63  }
0x16: {  	s17 =	simm.s32 $0x300;
	s18 =	simm.s32 $0x4C00  }
0x17: {  	[tilespmem:s18], [sflag:$0x1] =	stream.indirect.gather [hbm4b:s5+s6], $0x18, s17, s6, $0xb8;
	[tilespmem:$0x6400] =	vst v63  }
0x18: {  	s19 =	simm.s32 $0x380;
	s20 =	simm.s32 $0x5800;
	s21 =	simm.s32 $0x1  }
0x19: {  	[tilespmem:s20], [sflag:$0x1] =	stream.indirect.gather [hbm4b:s5+s6], $0x18, s19, s6, $0xb8;
	[tilespmem:$0x6400] =	vst v63  }
0x1a: {  	_ =	swait.ge [sflag:s21], $0xC00  }
0x1b: {  	[sflag:s21] =	ssyncset.done $0x0  }
0x1c: {  	[sflag:s21] =	ssyncadd.s32 $0xFFFFF400  }
0x1d: {  	_ =	swait.ge [sflag:s21], $0xC00  }
0x1e: {  	[sflag:s21] =	ssyncset.done $0x0  }
0x1f: {  	[sflag:s21] =	ssyncadd.s32 $0xFFFFF400  }
0x20: {  	_ =	swait.ge [sflag:s21], $0xC00  }
0x21: {  	[sflag:s21] =	ssyncset.done $0x0  }
0x22: {  	[sflag:s21] =	ssyncadd.s32 $0xFFFFF400  }
0x23: {  	_ =	swait.ge [sflag:s21], $0xC00  }
0x24: {  	[sflag:s21] =	ssyncset.done $0x0  }
0x25: {  	[sflag:s21] =	ssyncadd.s32 $0xFFFFF400  }
0x26: {  	_ =	swait.ge [sflag:s21], $0xC00  }
0x27: {  	[sflag:s21] =	ssyncset.done $0x0  }
0x28: {  	[sflag:s21] =	ssyncadd.s32 $0xFFFFF400  }
0x29: {  	_ =	swait.ge [sflag:s21], $0xC00  }
0x2a: {  	[sflag:s21] =	ssyncset.done $0x0  }
0x2b: {  	s23 =	ssub.s32 $0x2, s23;
	[sflag:s21] =	ssyncadd.s32 $0xFFFFF400  }
0x2c: {  	s25 =	sshrl.u32 s23, $0x1;
	_ =	swait.ge [sflag:s21], $0xC00  }
0x2d: {  	s23 =	ssub.s32 s23, s25;
	[sflag:s21] =	ssyncset.done $0x0  }
0x2e: {  	s24 =	smul.u32 $0xC00, s24;
	s23 =	smax.u32 s23, $0x1;
	[sflag:s21] =	ssyncadd.s32 $0xFFFFF400  }
0x2f: {  	p0 =	sne.s32 s23, $0x1;
	_ =	swait.ge [sflag:s21], $0xC00  }
.Ltmp0:
0x30: {  	s22 =	sadd.s32 s24, s22;
	[sflag:s21] =	ssyncset.done $0x0;
	(pc) =	sbr.rel @!p0 .LBB2_2-.Ltmp0, $4  }
0x31: {  	s22 =	sadd.s32 $0x326800, s22;
	[sflag:s21] =	ssyncadd.s32 $0xFFFFF400  }
0x32: {  	[hbm4b:s22+s2] =	stream.linear.scatter [tilespmem:s7], [sflag:$0x2], $0x6000, $0x38;
	[tilespmem:$0x6400] =	vst v63  }
0x33: {  	_ =	swait.ge [sflag:s3], $0x6000  }
0x34: {  	s23 =	sadd.s32 $0xFFFFFFFF, s23;
	[sflag:s3] =	ssyncset.done $0x0  }
.LBB2_1:
0x35: {  	p0 =	sne.s32 s23, $0x1;
	s23 =	sadd.s32 $0xFFFFFFFF, s23;
	[sflag:s3] =	ssyncadd.s32 $0xFFFFA000  }
0x36: {  	[tilespmem:s2], [sflag:$0x2] =	stream.linear.gather [hbm4b:s4+s2], $0x400, $0x38;
	[tilespmem:$0x6400] =	vst v63  }
0x37: {  	_ =	swait.ge [sflag:s3], $0x400  }
0x38: {  	[sflag:s3] =	ssyncset.done $0x0  }
0x39: {  	[sflag:s3] =	ssyncadd.s32 $0xFFFFFC00  }
0x3a: {  	[tilespmem:s7], [sflag:$0x1] =	stream.indirect.gather [hbm4b:s5+s6], $0x18, s2, s6, $0xb8;
	[tilespmem:$0x6400] =	vst v63  }
0x3b: {  	_ = 	snop  }
0x3c: {  	[tilespmem:s8], [sflag:$0x1] =	stream.indirect.gather [hbm4b:s5+s6], $0x18, s6, s6, $0xb8;
	[tilespmem:$0x6400] =	vst v63  }
0x3d: {  	_ = 	snop  }
0x3e: {  	[tilespmem:s10], [sflag:$0x1] =	stream.indirect.gather [hbm4b:s5+s6], $0x18, s9, s6, $0xb8;
	[tilespmem:$0x6400] =	vst v63  }
0x3f: {  	_ = 	snop  }
0x40: {  	[tilespmem:s12], [sflag:$0x1] =	stream.indirect.gather [hbm4b:s5+s6], $0x18, s11, s6, $0xb8;
	[tilespmem:$0x6400] =	vst v63  }
0x41: {  	_ = 	snop  }
0x42: {  	[tilespmem:s14], [sflag:$0x1] =	stream.indirect.gather [hbm4b:s5+s6], $0x18, s13, s6, $0xb8;
	[tilespmem:$0x6400] =	vst v63  }
0x43: {  	_ = 	snop  }
0x44: {  	[tilespmem:s16], [sflag:$0x1] =	stream.indirect.gather [hbm4b:s5+s6], $0x18, s15, s6, $0xb8;
	[tilespmem:$0x6400] =	vst v63  }
0x45: {  	_ = 	snop  }
0x46: {  	[tilespmem:s18], [sflag:$0x1] =	stream.indirect.gather [hbm4b:s5+s6], $0x18, s17, s6, $0xb8;
	[tilespmem:$0x6400] =	vst v63  }
0x47: {  	_ = 	snop  }
0x48: {  	[tilespmem:s20], [sflag:$0x1] =	stream.indirect.gather [hbm4b:s5+s6], $0x18, s19, s6, $0xb8;
	[tilespmem:$0x6400] =	vst v63  }
0x49: {  	_ =	swait.ge [sflag:s21], $0xC00  }
0x4a: {  	[sflag:s21] =	ssyncset.done $0x0  }
0x4b: {  	[sflag:s21] =	ssyncadd.s32 $0xFFFFF400  }
0x4c: {  	_ =	swait.ge [sflag:s21], $0xC00  }
0x4d: {  	[sflag:s21] =	ssyncset.done $0x0  }
0x4e: {  	[sflag:s21] =	ssyncadd.s32 $0xFFFFF400  }
0x4f: {  	_ =	swait.ge [sflag:s21], $0xC00  }
0x50: {  	[sflag:s21] =	ssyncset.done $0x0  }
0x51: {  	[sflag:s21] =	ssyncadd.s32 $0xFFFFF400  }
0x52: {  	_ =	swait.ge [sflag:s21], $0xC00  }
0x53: {  	[sflag:s21] =	ssyncset.done $0x0  }
0x54: {  	[sflag:s21] =	ssyncadd.s32 $0xFFFFF400  }
0x55: {  	_ =	swait.ge [sflag:s21], $0xC00  }
0x56: {  	[sflag:s21] =	ssyncset.done $0x0  }
0x57: {  	[sflag:s21] =	ssyncadd.s32 $0xFFFFF400  }
0x58: {  	_ =	swait.ge [sflag:s21], $0xC00  }
0x59: {  	[sflag:s21] =	ssyncset.done $0x0  }
0x5a: {  	[sflag:s21] =	ssyncadd.s32 $0xFFFFF400  }
0x5b: {  	_ =	swait.ge [sflag:s21], $0xC00  }
0x5c: {  	[sflag:s21] =	ssyncset.done $0x0  }
0x5d: {  	[sflag:s21] =	ssyncadd.s32 $0xFFFFF400  }
0x5e: {  	_ =	swait.ge [sflag:s21], $0xC00  }
.Ltmp1:
0x5f: {  	[sflag:s21] =	ssyncset.done $0x0;
	(pc) =	sbr.rel @p0 .LBB2_1-.Ltmp1, $4  }
0x60: {  	[sflag:s21] =	ssyncadd.s32 $0xFFFFF400  }
0x61: {  	[hbm4b:s22+s2] =	stream.linear.scatter [tilespmem:s7], [sflag:$0x2], $0x6000, $0x38;
	[tilespmem:$0x6400] =	vst v63  }
0x62: {  	_ =	swait.ge [sflag:s3], $0x6000  }
0x63: {  	[sflag:s3] =	ssyncset.done $0x0  }
.LBB2_2:
0x64: {  	[sflag:s3] =	ssyncadd.s32 $0xFFFFA000  }
0x65: {  	_ =	sfence.sel $0x180000  }
0x66: {  	[bflag:$0x0] =	sbarrier.arrive $0xFFFF  }
0x67: {  	p0 =	sne.s32 s0, $0x0;
	_ =	strace $0x9000004A  }
0x68: {  	s0 =	sadd.s32 @!p0 $0x100000, s1;
	[bflag:$0x2] =	sbarrier.arrive $0xFFFF  }
0x69: {  	[sflag:s0] =	ssyncadd.tile.s32 @!p0 $0x1;
	_ =	shalt  }
.Lfunc_end2:
_tile_overlayer_lowered:
.L_overlay_start_2:
0x6a: {  	(tag) =	ssettag $0x2  }
0x6b: {  	s0 =	rddreg [dreg:$0x0];
	s2 =	stileid.u32  }
0x6c: {  	s1 =	rddreg [dreg:$0x1];
	p0 =	sne.s32 s2, $0x0  }
0x6d: {  	s3 =	rddreg [dreg:$0x2];
	[bflag:$0x3] =	sbarrier.arrive $0xFFFF;
	s2 =	simm.s32 @!p0 $0x1C02  }
0x6e: {  	[timem:s3], [sflag:s2] =	dma.local @!p0 [hbm:s0], s1  }
0x6f: {  	s0 =	simm.s32 @!p0 $0x2  }
0x70: {  	_ =	swait.ge @!p0 [sflag:s0], s1  }
0x71: {  	s1 =	ssub.s32 @!p0 $0x0, s1;
	[sflag:s0] =	ssyncset.done @!p0 $0x0  }
0x72: {  	[sflag:s0] =	ssyncadd.s32 @!p0 s1  }
0x73: {  	[bflag:$0x3] =	sbarrier.arrive $0xFFFF  }
0x74: {  	_ =	shalt  }

// kernel: sparse-core-data-format-call.cloned.1.call-start
scs
called_computation_lowered:
.L_overlay_start_0:
0x0: {  	s1 =	sld [smem:$0x3FD9]  }
0x1: {  	s2 =	sld [smem:$0x3FFE];
	_ =	sdelay $0x1  }
0x2: {  	s3 =	srdreg.scid  }
0x3: {  	s0 =	sand.u32 $0x1, s3  }
0x4: {  	s17 =	sshll.u32 s0, $0xA;
	s1 =	sadd.s32 s2, s1  }
0x5: {  	s1 =	sadd.s32 s1, s17  }
0x6: {  	[smem:$0x3FC4] =	sst s1  }
0x7: {  	_ = 	snop  }
0x8: {  	(tm) =	ssettm $0x1  }
0x9: {  	s18 =	sld [smem:$0x3FFB];
	_ =	sdelay $0x3  }
0xa: {  	_ =	strace s18  }
0xb: {  	s1 =	sld [smem:$0x3FFC];
	_ =	sdelay $0x3  }
0xc: {  	_ =	strace s1  }
0xd: {  	s1 =	sld [smem:$0x3FFD];
	_ =	sdelay $0x3  }
0xe: {  	_ =	strace s1  }
0xf: {  	_ =	strace $0x8FFFFFFF  }
0x10: {  	s19 =	sld [smem:$0x3FDB];
	_ =	sdelay $0x1  }
0x11: {  	s20 =	simm.s32 $_scs_section_size  }
0x12: {  	s4 =	simm.s32 $_size__tile_overlayer_lowered;
	s5 =	simm.s32 $_tile_overlayer_lowered  }
0x13: {  	s23 =	simm.s32 $0x1BFF;
	s22 =	sshll.u32 s5, $0x1;
	s1 =	sadd.s32 s20, s19  }
0x14: {  	s6 =	simm.s32 $0x0;
	s21 =	sshll.u32 s4, $0x1;
	s4 =	sadd.s32 s22, s1  }
0x15: {  	[timem:s6], [sflag:s23] =	dma.local [hbm:s4], s21  }
0x16: {  	_ =	swait.ge [sflag:s23], s21  }
0x17: {  	s2 =	ssub.s32 $0x0, s21;
	[sflag:s23] =	ssyncset.done $0x0  }
0x18: {  	[sflag:s23] =	ssyncadd.s32 s2;
	_ =	sdelay $0x1  }
0x19: {  	s24 =	simm.s32 $0x1B8B  }
0x1a: {  	_ =	swait.ge [sflag:s24], $0x1  }
0x1b: {  	[sflag:s24] =	ssyncset.done $0x0  }
0x1c: {  	s26 =	simm.s32 $0x1B8E;
	s25 =	sld [smem:$0x3FFE];
	[sflag:s24] =	ssyncadd.s32 $0xFFFFFFFF  }
0x1d: {  	s27 =	simm.s32 $execute0_lowered;
	[smem:$0x3FD2] =	sst s26  }
0x1e: {  	s4 =	sshll.u32 s27, $0x1;
	_ =	strace $0x80000046;
	[dreg:$0x1] =	wrdreg $0xFFFFFFFF  }
0x1f: {  	s28 =	simm.s32 $_size_execute0_lowered;
	s1 =	sadd.s32 s1, s4;
	[dreg:$0x0] =	wrdreg $0x0  }
0x20: {  	s4 =	sshll.u32 s28, $0x1;
	[dreg:$0x2] =	wrdreg s1  }
0x21: {  	[dreg:$0x3] =	wrdreg s4  }
0x22: {  	[dreg:$0x4] =	wrdreg $0xC0  }
0x23: {  	_ =	task [dreg:s6], $0x5FFFF  }
0x24: {  	[dreg:$0x1] =	wrdreg $0xFFFFFFFF  }
0x25: {  	[dreg:$0x0] =	wrdreg $0x60  }
0x26: {  	[dreg:$0x2] =	wrdreg s25  }
0x27: {  	[dreg:$0x3] =	wrdreg $0x9  }
0x28: {  	_ =	task.clear_ibuf [dreg:s6], $0x4FFFF;
	_ =	strace $0x90000046  }
0x29: {  	s29 =	simm.s32 $0x9;
	_ =	strace $0x80000048  }
0x2a: {  	_ =	swait.ge [sflag:s29], $0x1  }
0x2b: {  	[sflag:s29] =	ssyncadd.s32 $0xFFFFFFFF  }
0x2c: {  	_ =	strace $0x90000048  }
0x2d: {  	_ =	sfence  }
0x2e: {  	s30 =	sld [smem:$0x0];
	_ =	sdelay $0x2  }
0x2f: {  	s31 =	sshll.u32 s3, $0xD;
	s3 =	sshrl.u32 s3, $0x2  }
0x30: {  	s2 =	sand.u32 $0x4000, s31;
	s1 =	sadd.s32 s3, s30  }
0x31: {  	s0 =	sor.u32 s2, s0;
	s1 =	sshll.u32 s1, $0x11  }
0x32: {  	s0 =	sor.u32 s1, s0  }
0x33: {  	s0 =	sadd.s32 $0x8F2B, s0  }
0x34: {  	[sflag:s0] =	ssyncadd.remote.s32 $0x1  }
0x35: {  	_ =	sfence.sel $0xFFFF  }
0x36: {  	[dreg:$0x0] =	wrdreg $0xFFFFFFFF;
	(pc) =	sbr.abs _section_cstart, $3  }
0x37: {  	[dreg:$0x1] =	wrdreg $0xFFFFFFFF  }
0x38: {  	_ =	task.clear_ibuf [dreg:s6], $0x2FFFF;
	_ =	strace $0x9FFFFFFF  }
0x39: {  	(tm) =	ssettm $0x7FFFFFFF  }
tec
execute0_lowered:
.L_overlay_start_1:
0x0: {  	(tag) =	ssettag $0x1  }
0x1: {  	s0 =	srdreg.scid  }
0x2: {  	s1 =	rddreg [dreg:$0x0];
	s2 =	stileid.u32  }
0x3: {  	_ =	strace $0x80000047;
	s29 =	simm.s32 $0x1;
	s31 =	simm.s32 $0x2  }
0x4: {  	s14 =	simm.s32 $0x0;
	s13 =	simm.s32 $0x0;
	s0 =	sshll.u32 s0, $0x4  }
0x5: {  	s8 =	simm.s32 $0x0;
	s10 =	simm.s32 $0x0;
	s0 =	sand.u32 $0x10, s0  }
0x6: {  	s26 =	sadd.s32 $0xC00, s1;
	s28 =	sadd.s32 $0x326800, s1;
	s0 =	sor.u32 s2, s0  }
.Ltmp0:
0x7: {  	[dreg:$0x2] =	wrdreg s26;
	s27 =	sshll.u32 s0, $0x8;
	(pc) =	sbr.rel .LBB1_1-.Ltmp0, $4  }
0x8: {  	s12 =	simm.s32 $0x0;
	[dreg:$0x4] =	wrdreg s28;
	s30 =	ssub.s32 $0x10C800, s27  }
0x9: {  	s11 =	simm.s32 $0x0;
	[dreg:$0x3] =	wrdreg s27;
	s0 =	sshrl.u32 s30, $0xD  }
0xa: {  	[sflag:s29] =	ssyncpa.u1 $0x0;
	[dreg:$0x5] =	wrdreg s0;
	s7 =	sadd.s32 $0x2, s0  }
0xb: {  	[sflag:s31] =	ssyncpa.u1 $0x0;
	s9 =	smov.u32 s27;
	[dreg:$0x6] =	wrdreg s7  }
.LBB1_12:
0xc: {  	s8 =	rddreg [dreg:$0x7]  }
0xd: {  	s10 =	rddreg [dreg:$0x9]  }
0xe: {  	s4 =	rddreg [dreg:$0xe]  }
0xf: {  	s24 =	rddreg [dreg:$0xd]  }
0x10: {  	s29 =	rddreg [dreg:$0x4]  }
0x11: {  	s7 =	rddreg [dreg:$0x6]  }
0x12: {  	s9 =	rddreg [dreg:$0x8]  }
0x13: {  	s11 =	rddreg [dreg:$0xa]  }
0x14: {  	s31 =	simm.s32 $0x80;
	s13 =	rddreg [dreg:$0xb]  }
0x15: {  	s14 =	rddreg [dreg:$0xc];
	s0 =	sshll.u32 s8, $0x7;
	s1 =	sshll.u32 s10, $0x3  }
0x16: {  	p0 =	sgt.s32 s8, $0x10C7E0;
	s2 =	sand.u32 $0xFFFFFC00, s0;
	s1 =	sand.u32 $0xFFFFFC00, s1  }
0x17: {  	s0 =	sand.u32 $0x380, s0;
	s1 =	sadd.s32 s1, s2;
	s2 =	smov.u32 s8  }
0x18: {  	s3 =	smov.u32 s10;
	s0 =	sor.u32 s0, s1;
	s2 =	simm.s32 @!p0 $0x10C7E0  }
0x19: {  	p0 =	sgt.s32 s10, $0x60;
	s0 =	sshrl.u32 s0, $0x7;
	s2 =	sadd.s32 s4, s2  }
0x1a: {  	s3 =	simm.s32 @!p0 $0x60;
	s23 =	smulhi.u32 $0x1E81081, s0;
	s25 =	sadd.s32 $0xFFEF3820, s2  }
0x1b: {  	s3 =	sadd.s32 s24, s3;
	s2 =	ssub.s32 $0x10C8E0, s2;
	p0 =	sgt.s32 s25, $0xFF  }
0x1c: {  	s26 =	sadd.s32 $0xFFFFFFA0, s3;
	s3 =	ssub.s32 $0x80, s3;
	s1 =	sshrl.u32 s23, $0xD  }
0x1d: {  	s2 =	simm.s32 @p0 $0x0;
	p0 =	sgt.s32 s26, $0x1F;
	s1 =	smul.u32 $0x10C8E0, s1  }
0x1e: {  	s27 =	sshrl.u32 s10, $0x3;
	s28 =	sand.u32 $0x7, s10;
	s3 =	simm.s32 @p0 $0x0  }
0x1f: {  	s2 =	smul.u32 s3, s2;
	s0 =	ssub.s32 s0, s1;
	s1 =	sand.u32 $0xF, s27  }
0x20: {  	s3 =	sshll.u32 s28, $0x12;
	s0 =	sshll.u32 s0, $0x4;
	s1 =	sadd.s32 s29, s1  }
0x21: {  	s30 =	sor.u32 $0x20, s3;
	s2 =	sand.u32 $0x3FFFFFFF, s2;
	s0 =	sadd.s32 s0, s1  }
0x22: {  	[hbm4b:s0+s30] =	stream.strided.scatter [tilespmem:s18], [sflag:$0x2], s2, s31, s30, $0x10;
	[tilespmem:$0x8200] =	vst v63  }
.LBB1_13:
0x23: {  	p0 =	slt.u32 s11, $0x2  }
0x24: {  	s1 =	smov.u32 s14;
	s2 =	smov.u32 s13;
	p1 =	sgt.s32 @!p0 s14, $0x10C7E0  }
0x25: {  	s0 =	sshra.s32 @!p0 s14, $0x1F;
	p2 =	sgt.s32 @!p0 s13, $0x60;
	s3 =	sshra.s32 @!p0 s13, $0x1F  }
0x26: {  	p1 =	por !p1, p0;
	s0 =	sand.u32 @!p0 s0, s14;
	p2 =	por !p2, p0  }
0x27: {  	s3 =	sand.u32 @!p0 s3, s13;
	s1 =	simm.s32 @p1 $0x10C7E0;
	s2 =	simm.s32 @p2 $0x60  }
0x28: {  	s0 =	ssub.s32 @!p0 s1, s0;
	s1 =	ssub.s32 @!p0 s2, s3  }
0x29: {  	s2 =	sadd.s32 @!p0 $0xFFEF3820, s0;
	s3 =	sadd.s32 @!p0 $0xFFFFFFA0, s1  }
0x2a: {  	s0 =	ssub.s32 @!p0 $0x10C8E0, s0;
	p1 =	sgt.s32 @!p0 s2, $0xFF;
	p2 =	sgt.s32 @!p0 s3, $0x1F  }
0x2b: {  	s1 =	ssub.s32 @!p0 $0x80, s1;
	p1 =	por !p1, p0;
	p2 =	por !p2, p0  }
0x2c: {  	s0 =	simm.s32 @!p1 $0x0;
	s1 =	simm.s32 @!p2 $0x0  }
0x2d: {  	s0 =	smul.u32 @!p0 s1, s0  }
0x2e: {  	s4 =	smov.u32 s12  }
0x2f: {  	s2 =	simm.s32 @!p0 $0x2;
	s1 =	sadd.s32 $0x2000, s9;
	s0 =	sand.u32 @!p0 $0x3FFFFFFF, s0  }
0x30: {  	s3 =	sadd.s32 $0x20, s12;
	p1 =	sgt.s32 s1, $0x10C8DF;
	_ =	swait.ge @!p0 [sflag:s2], s0  }
0x31: {  	s4 =	smov.u32 @p1 s3;
	s3 =	rddreg [dreg:$0x3]  }
0x32: {  	s1 =	smov.u32 @p1 s3;
	p1 =	sgt.s32 s4, $0x17  }
0x33: {  	s4 =	simm.s32 @p1 $0x0;
	p1 =	sne.s32 s11, s7  }
.Ltmp1:
0x34: {  	_ = 	snop;
	(pc) =	sbr.rel @!p1 .LBB1_14-.Ltmp1, $4  }
0x35: {  	s14 =	smov.u32 s8  }
0x36: {  	s13 =	smov.u32 s10;
	s0 =	ssub.s32 @!p0 $0x0, s0;
	[sflag:s2] =	ssyncset.done @!p0 $0x0  }
0x37: {  	s8 =	smov.u32 s9;
	s10 =	smov.u32 s12;
	[sflag:s2] =	ssyncadd.s32 @!p0 s0  }
0x38: {  	s11 =	sadd.s32 $0x1, s11;
	s9 =	smov.u32 s1;
	s12 =	smov.u32 s4  }
.LBB1_1:
0x39: {  	s0 =	rddreg [dreg:$0x5]  }
0x3a: {  	p0 =	sgt.u32 s11, s0  }
0x3b: {  	s0 =	sshrl.u32 @!p0 s12, $0x3  }
0x3c: {  	s1 =	sshll.u32 @!p0 s9, $0x3;
	s0 =	smul.u32 @!p0 $0x864800, s0  }
0x3d: {  	s5 =	smov.u32 s9;
	s2 =	sshll.u32 @!p0 s12, $0x7;
	s1 =	sand.u32 @!p0 $0xFFFFFC00, s1  }
0x3e: {  	s3 =	sand.u32 @!p0 $0x7F, s9;
	s0 =	sadd.s32 @!p0 s0, s1;
	s1 =	sand.u32 @!p0 $0x380, s2  }
0x3f: {  	p1 =	sgt.s32 @!p0 s12, $0xFFFFFFF8;
	s4 =	sshra.s32 @!p0 s12, $0x1F;
	s0 =	sor.u32 @!p0 s1, s0  }
0x40: {  	s6 =	sshra.s32 @!p0 s9, $0x1F;
	p1 =	por !p1, p0;
	s1 =	smulhi.u32 @!p0 $0x3D019BCB, s0  }
0x41: {  	s4 =	sand.u32 @!p0 s4, s12;
	s0 =	sor.u32 @!p0 s3, s0;
	s3 =	smov.u32 s12  }
0x42: {  	s3 =	simm.s32 @p1 $0xFFFFFFF8;
	p1 =	sgt.s32 @!p0 s9, $0x10C800;
	s1 =	sshrl.u32 @!p0 s1, $0x12  }
0x43: {  	p1 =	por !p1, p0;
	s3 =	ssub.s32 @!p0 s3, s4;
	s2 =	smul.u32 @!p0 $0xAAB, s1  }
0x44: {  	s4 =	sand.u32 @!p0 s6, s9;
	s6 =	smulhi.u32 @!p0 $0x3D019BCB, s0;
	s5 =	simm.s32 @p1 $0x10C800  }
0x45: {  	s4 =	ssub.s32 @!p0 s5, s4;
	s5 =	sadd.s32 @!p0 $0x8, s3;
	s2 =	sshrl.u32 @!p0 s2, $0x10  }
0x46: {  	p1 =	sgt.s32 @!p0 s5, $0x1F;
	s5 =	sshrl.u32 @!p0 s6, $0x12;
	s2 =	smul.u32 @!p0 $0x18, s2  }
0x47: {  	s3 =	ssub.s32 @!p0 $0x18, s3;
	s5 =	smul.u32 @!p0 $0x10C900, s5  }
0x48: {  	p1 =	por !p1, p0;
	s1 =	ssub.s32 @!p0 s1, s2;
	s2 =	sadd.s32 @!p0 $0xFFEF3800, s4  }
0x49: {  	s3 =	simm.s32 @!p1 $0x0;
	s4 =	ssub.s32 @!p0 $0x10C900, s4;
	p2 =	sgt.s32 @!p0 s2, $0xFF  }
0x4a: {  	s0 =	ssub.s32 @!p0 s0, s5;
	s1 =	sand.u32 @!p0 $0xFFFF, s1;
	p2 =	por !p2, p0  }
0x4b: {  	s2 =	sxor.u32 @!p0 $0xFFFFFFFF, s11;
	s1 =	smul.u32 @!p0 $0x21920, s1;
	s4 =	simm.s32 @!p2 $0x0  }
0x4c: {  	s5 =	rddreg [dreg:$0x2];
	s2 =	sshll.u32 @!p0 s2, $0xD;
	s3 =	smul.u32 @!p0 s3, s4  }
0x4d: {  	s2 =	sand.u32 @!p0 $0x2000, s2;
	s4 =	sshrl.u32 @!p0 s0, $0x3;
	s0 =	sand.u32 @!p0 $0x7, s0  }
0x4e: {  	s4 =	sadd.s32 @!p0 s5, s4;
	s0 =	sshll.u32 @!p0 s0, $0x12;
	s3 =	sand.u32 @!p0 $0x3FFFFFFF, s3  }
0x4f: {  	s1 =	sadd.s32 @!p0 s1, s4;
	s0 =	sor.u32 @!p0 $0x800, s0;
	s4 =	simm.s32 @!p0 $0x864800  }
0x50: {  	[tilespmem:s2], [sflag:$0x1] =	stream.strided.gather @!p0 [hbm4b:s1+s0], s3, s4, s0, $0x38;
	[tilespmem:$0x8200] =	vst v63  }
0x51: {  	p0 =	seq.s32 s11, $0x0  }
0x52: {  	p1 =	sge.u32 @!p0 s11, s7  }
0x53: {  	p0 =	por p0, p1  }
.Ltmp2:
0x54: {  	_ = 	snop;
	(pc) =	sbr.rel @p0 .LBB1_13-.Ltmp2, $1  }
0x55: {  	_ =	sdelay $0x3  }
0x56: {  	s0 =	ssub.s32 $0x0, s10;
	s1 =	sshra.s32 s10, $0x1F;
	p0 =	sgt.s32 s10, $0xFFFFFFF8  }
0x57: {  	s2 =	smov.u32 s10;
	s25 =	ssub.s32 $0x0, s8;
	s26 =	sshra.s32 s8, $0x1F  }
0x58: {  	s3 =	smov.u32 s8;
	s2 =	simm.s32 @!p0 $0xFFFFFFF8;
	p0 =	sgt.s32 s8, $0x10C800  }
0x59: {  	s4 =	sand.u32 s0, s1;
	s1 =	sand.u32 s25, s26;
	s3 =	simm.s32 @!p0 $0x10C800  }
0x5a: {  	s2 =	sadd.s32 s4, s2;
	[dreg:$0xe] =	wrdreg s1;
	s1 =	sadd.s32 s1, s3  }
0x5b: {  	s27 =	sadd.s32 $0x8, s2;
	s2 =	ssub.s32 $0x18, s2;
	s28 =	sadd.s32 $0xFFEF3800, s1  }
0x5c: {  	p0 =	sgt.s32 s27, $0x1F;
	s0 =	ssub.s32 $0x10C900, s1;
	p1 =	sgt.s32 s28, $0xFF  }
0x5d: {  	s2 =	simm.s32 @p0 $0x0;
	s0 =	simm.s32 @p1 $0x0  }
0x5e: {  	s29 =	smul.u32 s2, s0;
	s2 =	sadd.s32 $0x20, s10  }
0x5f: {  	[dreg:$0xc] =	wrdreg s14;
	p0 =	slt.s32 s2, $0x18  }
0x60: {  	[dreg:$0xb] =	wrdreg s13;
	s2 =	simm.s32 @!p0 $0x18  }
0x61: {  	[dreg:$0x8] =	wrdreg s9;
	s19 =	ssub.s32 s2, s10  }
0x62: {  	[dreg:$0x7] =	wrdreg s8;
	p0 =	slt.s32 s19, $0x1  }
.Ltmp3:
0x63: {  	[dreg:$0xa] =	wrdreg s11;
	s30 =	simm.s32 $0x1;
	(pc) =	sbr.rel @p0 .LBB1_12-.Ltmp3, $4  }
0x64: {  	[dreg:$0xd] =	wrdreg s4;
	s0 =	sand.u32 $0x1, s11;
	s1 =	sand.u32 $0x3FFFFFFF, s29  }
0x65: {  	s31 =	smul.u32 $0x2100, s0;
	_ =	swait.ge [sflag:s30], s1  }
0x66: {  	s1 =	ssub.s32 $0x0, s1;
	[sflag:s30] =	ssyncset.done $0x0  }
0x67: {  	[dreg:$0x9] =	wrdreg s10;
	s18 =	sor.u32 $0x4000, s31;
	[sflag:s30] =	ssyncadd.s32 s1  }
0x68: {  	s2 =	rddreg [dreg:$0x7]  }
0x69: {  	s1 =	sadd.s32 $0x100, s2  }
0x6a: {  	p0 =	slt.s32 s1, $0x10C8E0  }
0x6b: {  	s1 =	simm.s32 @!p0 $0x10C8E0  }
.Ltmp4:
0x6c: {  	s1 =	ssub.s32 s1, s2;
	(pc) =	sbr.rel .LBB1_4-.Ltmp4, $4  }
0x6d: {  	s22 =	sshll.u32 s0, $0xD;
	s1 =	sadd.s32 $0xF, s1  }
0x6e: {  	s10 =	simm.s32 $0x0;
	s25 =	simm.s32 $0x0;
	s30 =	sshll.u32 s1, $0x3  }
0x6f: {  	s20 =	sand.u32 $0xFFFFFFF0, s1;
	s21 =	sand.u32 $0xFFFFFF00, s1;
	s31 =	sand.u32 $0xFFFFF800, s30  }
0x70: {  	p0 =	slt.s32 s1, $0x100;
	p1 =	sge.s32 s21, s20;
	[dreg:$0xf] =	wrdreg s31  }
.LBB1_11:
0x71: {  	s25 =	sadd.s32 $0x1, s25  }
0x72: {  	p2 =	sne.s32 s25, s19  }
.Ltmp5:
0x73: {  	_ = 	snop;
	(pc) =	sbr.rel @!p2 .LBB1_12-.Ltmp5, $2  }
0x74: {  	_ =	sdelay $0x2  }
0x75: {  	s10 =	sadd.s32 $0x100, s10  }
.LBB1_4:
.Ltmp6:
0x76: {  	(pc) =	sbr.rel @p0 .LBB1_8-.Ltmp6, $2  }
0x77: {  	_ =	sdelay $0x2  }
0x78: {  	s26 =	sshll.u32 s25, $0x7  }
0x79: {  	s0 =	sshll.u32 s25, $0x3  }
0x7a: {  	s2 =	sshll.u32 s25, $0x8;
	s27 =	sand.u32 $0x300, s26;
	s14 =	sand.u32 $0x380, s26  }
0x7b: {  	s15 =	sand.u32 $0x7F, s25;
	s9 =	sand.u32 $0x80, s26;
	s3 =	sshrl.u32 s0, $0x7  }
0x7c: {  	s5 =	sadd.s32 $0x800, s0;
	s6 =	sadd.s32 $0x1000, s0;
	s7 =	sadd.s32 $0x1800, s0  }
0x7d: {  	s24 =	sadd.s32 $0x2000, s0;
	s11 =	sadd.s32 $0x2800, s0;
	s13 =	sadd.s32 $0x3000, s0  }
0x7e: {  	s0 =	sadd.s32 $0x3800, s0;
	s4 =	sand.u32 $0xF8, s3;
	s5 =	sshrl.u32 s5, $0x7  }
0x7f: {  	s6 =	sshrl.u32 s6, $0x7;
	s1 =	smul.u32 $0x84, s4;
	s5 =	sand.u32 $0xF8, s5  }
0x80: {  	s7 =	sshrl.u32 s7, $0x7;
	s6 =	sand.u32 $0xF8, s6;
	s5 =	smul.u32 $0x84, s5  }
0x81: {  	s0 =	sshrl.u32 s0, $0x7;
	s7 =	sand.u32 $0xF8, s7;
	s6 =	smul.u32 $0x84, s6  }
0x82: {  	s0 =	sand.u32 $0xF8, s0;
	s17 =	smul.u32 $0x84, s7;
	s7 =	sshrl.u32 s24, $0x7  }
0x83: {  	s1 =	sshrl.u32 s1, $0x2;
	s8 =	sand.u32 $0xF8, s7;
	s7 =	sxor.u32 $0x80, s4  }
0x84: {  	s1 =	sadd.s32 s1, s18;
	s5 =	sshrl.u32 s5, $0x2;
	s23 =	sshrl.u32 s6, $0x2  }
0x85: {  	s6 =	sshrl.u32 s13, $0x7;
	s13 =	sor.u32 $0x400, s2;
	s28 =	sadd.s32 s15, s1  }
0x86: {  	s16 =	sadd.s32 s5, s18;
	s1 =	sadd.s32 s23, s18;
	s5 =	sshrl.u32 s17, $0x2  }
0x87: {  	s6 =	sand.u32 $0xF8, s6;
	s30 =	sadd.s32 s15, s1;
	s1 =	smul.u32 $0x84, s8  }
0x88: {  	v1 =	vmov s14;
	s14 =	sand.u32 $0x1C00, s13;
	s29 =	sadd.s32 s15, s16;
	s6 =	smul.u32 $0x84, s6  }
0x89: {  	v0 =	vmov s9;
	s5 =	sadd.s32 s5, s18;
	s16 =	smul.u32 $0x84, s0;
	s9 =	sadd.s32 s14, s22  }
0x8a: {  	s31 =	sadd.s32 s15, s5;
	s5 =	sshrl.u32 s11, $0x7;
	s11 =	smul.u32 $0x84, s7  }
0x8b: {  	s14 =	sadd.s32 s27, s9;
	s5 =	sand.u32 $0xF8, s5;
	s1 =	sshrl.u32 s1, $0x2  }
0x8c: {  	s23 =	sshrl.u32 s6, $0x2;
	s24 =	sshrl.u32 s16, $0x2;
	s5 =	smul.u32 $0x84, s5  }
0x8d: {  	s16 =	sadd.s32 $0x90, s3;
	s1 =	sadd.s32 s1, s18;
	s6 =	sadd.s32 s24, s18  }
0x8e: {  	s0 =	sadd.s32 s15, s1;
	s4 =	sadd.s32 s15, s6;
	s5 =	sshrl.u32 s5, $0x2  }
0x8f: {  	s17 =	sadd.s32 s5, s18;
	s5 =	sadd.s32 s23, s18;
	s23 =	sadd.s32 $0xA0, s3  }
0x90: {  	s1 =	sadd.s32 s15, s17;
	s8 =	sadd.s32 s15, s5;
	s17 =	sand.u32 $0xF8, s16  }
0x91: {  	s5 =	sshrl.u32 s11, $0x2;
	s6 =	sand.u32 $0xF8, s23;
	s24 =	smul.u32 $0x84, s17  }
0x92: {  	s16 =	sadd.s32 $0xB0, s3;
	s5 =	sadd.s32 s5, s18;
	s6 =	smul.u32 $0x84, s6  }
0x93: {  	s16 =	sand.u32 $0xF8, s16;
	s17 =	sadd.s32 $0xC0, s3;
	s2 =	sadd.s32 s15, s5  }
0x94: {  	s7 =	smul.u32 $0x84, s16;
	s16 =	sand.u32 $0xF8, s17;
	s17 =	sadd.s32 $0xD0, s3  }
0x95: {  	s11 =	sshrl.u32 s24, $0x2;
	s16 =	smul.u32 $0x84, s16;
	s17 =	sand.u32 $0xF8, s17  }
0x96: {  	s24 =	sadd.s32 $0xE0, s3;
	s3 =	sadd.s32 $0xF0, s3;
	s5 =	sadd.s32 s11, s18  }
0x97: {  	v2 =	vld.idx.msk [tilespmem:v1+s9+$0x0 ss:$0x1], $0xffff;
	s7 =	sshrl.u32 s7, $0x2;
	s17 =	smul.u32 $0x84, s17;
	s24 =	sand.u32 $0xF8, s24  }
0x98: {  	s3 =	sand.u32 $0xF8, s3;
	s16 =	sshrl.u32 s16, $0x2;
	s24 =	smul.u32 $0x84, s24  }
0x99: {  	s7 =	sadd.s32 s7, s18;
	s11 =	smul.u32 $0x84, s3;
	s16 =	sadd.s32 s16, s18  }
0x9a: {  	s3 =	sadd.s32 s15, s7;
	s23 =	sshrl.u32 s17, $0x2;
	s7 =	sadd.s32 s15, s16  }
0x9b: {  	v3 =	vld.idx.msk [tilespmem:v0+s14+$0x70 ss:$0x1], $0xffff;
	s24 =	sshrl.u32 s24, $0x2;
	s16 =	sadd.s32 s23, s18;
	s23 =	sand.u32 $0x1800, s10  }
0x9c: {  	[tilespmem:s2+$0x0 ss:$0x21] =	vst.msk $0xffff, v2;
	v2 =	vld.idx.msk [tilespmem:v0+s14+$0x20 ss:$0x1], $0xffff;
	s17 =	sadd.s32 s24, s18;
	s24 =	sadd.s32 s23, s22  }
0x9d: {  	s6 =	sshrl.u32 s6, $0x2;
	v4 =	vld.idx.msk [tilespmem:v1+s24+$0x0 ss:$0x1], $0xffff;
	s9 =	sadd.s32 s27, s24  }
0x9e: {  	s6 =	sadd.s32 s6, s18;
	s11 =	sshrl.u32 s11, $0x2;
	v5 =	vld.idx.msk [tilespmem:v0+s9+$0x70 ss:$0x1], $0xffff  }
0x9f: {  	s5 =	sadd.s32 s15, s5;
	s6 =	sadd.s32 s15, s6;
	s11 =	sadd.s32 s11, s18;
	v8 =	vld.idx.msk [tilespmem:v0+s9+$0x10 ss:$0x1], $0xffff  }
0xa0: {  	s16 =	sadd.s32 s15, s16;
	s17 =	sadd.s32 s15, s17;
	s15 =	sadd.s32 s15, s11;
	v9 =	vld.idx.msk [tilespmem:v0+s9+$0x20 ss:$0x1], $0xffff  }
0xa1: {  	v10 =	vld.idx.msk [tilespmem:v0+s9+$0x30 ss:$0x1], $0xffff;
	[tilespmem:s15+$0x0 ss:$0x21] =	vst.msk $0xffff, v3  }
0xa2: {  	p2 =	sgt.s32 s21, $0x100;
	v11 =	vld.idx.msk [tilespmem:v0+s9+$0x40 ss:$0x1], $0xffff;
	[tilespmem:s28+$0x0 ss:$0x21] =	vst.msk $0xffff, v4  }
.Ltmp7:
0xa3: {  	v7 =	vld.idx.msk [tilespmem:v0+s9+$0x50 ss:$0x1], $0xffff;
	[tilespmem:s4+$0x0 ss:$0x21] =	vst.msk $0xffff, v5;
	(pc) =	sbr.rel @!p2 .LBB1_7-.Ltmp7, $4  }
0xa4: {  	v6 =	vld.idx.msk [tilespmem:v0+s9+$0x60 ss:$0x1], $0xffff;
	[tilespmem:s29+$0x0 ss:$0x21] =	vst.msk $0xffff, v8  }
0xa5: {  	v3 =	vld.idx.msk [tilespmem:v0+s14+$0x10 ss:$0x1], $0xffff;
	[tilespmem:s30+$0x0 ss:$0x21] =	vst.msk $0xffff, v9  }
0xa6: {  	v4 =	vld.idx.msk [tilespmem:v0+s14+$0x30 ss:$0x1], $0xffff;
	[tilespmem:s31+$0x0 ss:$0x21] =	vst.msk $0xffff, v10  }
0xa7: {  	s13 =	sadd.s32 $0x800, s13;
	s24 =	smov.u32 s10;
	s9 =	simm.s32 $0x100;
	[tilespmem:s0+$0x0 ss:$0x21] =	vst.msk $0xffff, v11;
	v5 =	vld.idx.msk [tilespmem:v0+s14+$0x40 ss:$0x1], $0xffff  }
.LBB1_6:
0xa8: {  	s11 =	sand.u32 $0x1C00, s13;
	[tilespmem:s1+$0x0 ss:$0x21] =	vst.msk $0xffff, v7;
	v7 =	vld.idx.msk [tilespmem:v0+s14+$0x50 ss:$0x1], $0xffff  }
0xa9: {  	s24 =	sadd.s32 $0x800, s24;
	s11 =	sadd.s32 s11, s22;
	[tilespmem:s8+$0x0 ss:$0x21] =	vst.msk $0xffff, v6;
	v6 =	vld.idx.msk [tilespmem:v0+s14+$0x60 ss:$0x1], $0xffff  }
0xaa: {  	s9 =	sadd.s32 $0x100, s9;
	s23 =	sand.u32 $0x1800, s24;
	v8 =	vld.idx.msk [tilespmem:v1+s11+$0x0 ss:$0x1], $0xffff;
	s14 =	sadd.s32 s27, s11;
	[tilespmem:s5+$0x0 ss:$0x21] =	vst.msk $0xffff, v3  }
0xab: {  	p2 =	slt.s32 s9, s21;
	s11 =	sadd.s32 s23, s22;
	v3 =	vld.idx.msk [tilespmem:v0+s14+$0x70 ss:$0x1], $0xffff;
	[tilespmem:s6+$0x0 ss:$0x21] =	vst.msk $0xffff, v2  }
0xac: {  	v2 =	vld.idx.msk [tilespmem:v1+s11+$0x0 ss:$0x1], $0xffff;
	s11 =	sadd.s32 s27, s11;
	[tilespmem:s3+$0x0 ss:$0x21] =	vst.msk $0xffff, v4  }
0xad: {  	v4 =	vld.idx.msk [tilespmem:v0+s11+$0x70 ss:$0x1], $0xffff;
	[tilespmem:s7+$0x0 ss:$0x21] =	vst.msk $0xffff, v5  }
0xae: {  	v5 =	vld.idx.msk [tilespmem:v0+s11+$0x10 ss:$0x1], $0xffff;
	[tilespmem:s16+$0x0 ss:$0x21] =	vst.msk $0xffff, v7  }
0xaf: {  	v9 =	vld.idx.msk [tilespmem:v0+s11+$0x20 ss:$0x1], $0xffff;
	[tilespmem:s17+$0x0 ss:$0x21] =	vst.msk $0xffff, v6  }
0xb0: {  	v10 =	vld.idx.msk [tilespmem:v0+s11+$0x30 ss:$0x1], $0xffff;
	[tilespmem:s2+$0x0 ss:$0x21] =	vst.msk $0xffff, v8  }
0xb1: {  	v8 =	vld.idx.msk [tilespmem:v0+s11+$0x40 ss:$0x1], $0xffff;
	[tilespmem:s15+$0x0 ss:$0x21] =	vst.msk $0xffff, v3  }
0xb2: {  	[tilespmem:s28+$0x0 ss:$0x21] =	vst.msk $0xffff, v2;
	v7 =	vld.idx.msk [tilespmem:v0+s11+$0x50 ss:$0x1], $0xffff  }
.Ltmp8:
0xb3: {  	v6 =	vld.idx.msk [tilespmem:v0+s11+$0x60 ss:$0x1], $0xffff;
	[tilespmem:s4+$0x0 ss:$0x21] =	vst.msk $0xffff, v4;
	(pc) =	sbr.rel @p2 .LBB1_6-.Ltmp8, $4  }
0xb4: {  	[tilespmem:s29+$0x0 ss:$0x21] =	vst.msk $0xffff, v5;
	v3 =	vld.idx.msk [tilespmem:v0+s14+$0x10 ss:$0x1], $0xffff  }
0xb5: {  	[tilespmem:s30+$0x0 ss:$0x21] =	vst.msk $0xffff, v9;
	v2 =	vld.idx.msk [tilespmem:v0+s14+$0x20 ss:$0x1], $0xffff  }
0xb6: {  	[tilespmem:s31+$0x0 ss:$0x21] =	vst.msk $0xffff, v10;
	v4 =	vld.idx.msk [tilespmem:v0+s14+$0x30 ss:$0x1], $0xffff  }
0xb7: {  	s13 =	sadd.s32 $0x800, s13;
	[tilespmem:s0+$0x0 ss:$0x21] =	vst.msk $0xffff, v8;
	v5 =	vld.idx.msk [tilespmem:v0+s14+$0x40 ss:$0x1], $0xffff  }
.LBB1_7:
0xb8: {  	_ =	sdelay $0x2  }
0xb9: {  	[tilespmem:s1+$0x0 ss:$0x21] =	vst.msk $0xffff, v7  }
0xba: {  	v1 =	vld.idx.msk [tilespmem:v0+s14+$0x50 ss:$0x1], $0xffff;
	[tilespmem:s8+$0x0 ss:$0x21] =	vst.msk $0xffff, v6  }
0xbb: {  	v63 =	vld.idx.msk [tilespmem:v0+s14+$0x60 ss:$0x1], $0xffff;
	[tilespmem:s5+$0x0 ss:$0x21] =	vst.msk $0xffff, v3  }
0xbc: {  	[tilespmem:s6+$0x0 ss:$0x21] =	vst.msk $0xffff, v2  }
0xbd: {  	[tilespmem:s3+$0x0 ss:$0x21] =	vst.msk $0xffff, v4  }
0xbe: {  	[tilespmem:s7+$0x0 ss:$0x21] =	vst.msk $0xffff, v5  }
0xbf: {  	[tilespmem:s16+$0x0 ss:$0x21] =	vst.msk $0xffff, v1  }
0xc0: {  	[tilespmem:s17+$0x0 ss:$0x21] =	vst.msk $0xffff, v63  }
.LBB1_8:
.Ltmp9:
0xc1: {  	(pc) =	sbr.rel @p1 .LBB1_11-.Ltmp9, $1  }
0xc2: {  	_ =	sdelay $0x3  }
0xc3: {  	s0 =	sshrl.u32 s25, $0x4;
	s1 =	sand.u32 $0x1800, s10  }
0xc4: {  	s2 =	sand.u32 $0x300, s26;
	s3 =	sand.u32 $0x80, s26;
	s5 =	rddreg [dreg:$0xf]  }
0xc5: {  	s4 =	sand.u32 $0x7F, s25;
	s2 =	sadd.s32 s2, s22;
	s1 =	sadd.s32 s1, s5  }
0xc6: {  	s2 =	sadd.s32 s3, s2;
	s3 =	sadd.s32 s4, s18;
	s4 =	smov.u32 s21  }
.LBB1_10:
0xc7: {  	s5 =	sand.u32 $0x1C00, s1  }
0xc8: {  	s6 =	sand.u32 $0x70, s4;
	s30 =	sadd.s32 s4, s0;
	s5 =	sadd.s32 s5, s2  }
0xc9: {  	s4 =	sadd.s32 $0x10, s4;
	s31 =	sand.u32 $0xF8, s30;
	s5 =	sadd.s32 s6, s5  }
0xca: {  	p2 =	slt.s32 s4, s20;
	v0 =	vld [tilespmem:s5+$0x0];
	s5 =	smul.u32 $0x84, s31  }
.Ltmp10:
0xcb: {  	_ = 	snop;
	(pc) =	sbr.rel @p2 .LBB1_10-.Ltmp10, $4  }
0xcc: {  	_ = 	snop  }
0xcd: {  	s5 =	sshrl.u32 s5, $0x2  }
0xce: {  	s5 =	sadd.s32 s5, s3  }
0xcf: {  	s1 =	sadd.s32 $0x80, s1;
	[tilespmem:s5+$0x0 ss:$0x21] =	vst.msk $0xffff, v0  }
.Ltmp11:
0xd0: {  	_ = 	snop;
	(pc) =	sbr.rel .LBB1_11-.Ltmp11, $1  }
0xd1: {  	_ =	sdelay $0x3  }
.LBB1_14:
0xd2: {  	_ =	sfence.sel $0x180000  }
0xd3: {  	s0 =	simm.s32 $0x1;
	[bflag:$0x0] =	sbarrier.arrive $0xFFFF  }
0xd4: {  	s30 =	simm.s32 $0x2;
	[sflag:s0] =	ssyncpa.u1 $0x1  }
0xd5: {  	[sflag:s30] =	ssyncpa.u1 $0x1  }
0xd6: {  	_ =	strace $0x90000047  }
0xd7: {  	s31 =	stileid.u32;
	[bflag:$0x2] =	sbarrier.arrive $0xFFFF  }
0xd8: {  	p0 =	sne.s32 s31, $0x0;
	s0 =	rddreg [dreg:$0x1]  }
0xd9: {  	s0 =	sadd.s32 @!p0 $0x100000, s0  }
0xda: {  	[sflag:s0] =	ssyncadd.tile.s32 @!p0 $0x1;
	_ =	shalt  }
.Lfunc_end1:
_tile_overlayer_lowered:
.L_overlay_start_2:
0xdb: {  	(tag) =	ssettag $0x2  }
0xdc: {  	s0 =	rddreg [dreg:$0x0];
	s2 =	stileid.u32  }
0xdd: {  	s1 =	rddreg [dreg:$0x1];
	p0 =	sne.s32 s2, $0x0  }
0xde: {  	s3 =	rddreg [dreg:$0x2];
	[bflag:$0x3] =	sbarrier.arrive $0xFFFF;
	s2 =	simm.s32 @!p0 $0x1C01  }
0xdf: {  	[timem:s3], [sflag:s2] =	dma.local @!p0 [hbm:s0], s1  }
0xe0: {  	s0 =	simm.s32 @!p0 $0x1  }
0xe1: {  	_ =	swait.ge @!p0 [sflag:s0], s1  }
0xe2: {  	s1 =	ssub.s32 @!p0 $0x0, s1;
	[sflag:s0] =	ssyncset.done @!p0 $0x0  }
0xe3: {  	[sflag:s0] =	ssyncadd.s32 @!p0 s1  }
0xe4: {  	[bflag:$0x3] =	sbarrier.arrive $0xFFFF  }
0xe5: {  	_ =	shalt  }

</sc_bundles>
